<compile_context>
chip_gen: v7x
topology: tpu7x:2x2x1
jax: 0.10.2.dev20260603
libtpu: 0.0.44.dev20260713+nightly
codegen_flags: <defaults>
</compile_context>

<pallas_src>
import jax
import jax.numpy as jnp
from jax import lax
from jax.experimental import pallas as pl
from jax.experimental.pallas import tpu as pltpu
from jax.experimental.pallas import tpu_sc as plsc

_CLS = 100000
_DIM = 32
_BATCH = 16384
_NC = 2
_NS = 16
_NW = _NC * _NS
_CHUNK = 128
_NHC = 8
_HIST = _NHC * _CHUNK
_CNT_PAD = 100096
_ZCHUNK = _CNT_PAD // _NS // 2
_Q = 4096


def _body(ys_ref, xsT_ref, ct_ref, aux_ref, out_ref,
          idx_v, crow_v, xrow_v, ysq_v, wq_v, cnt_v, ones_v, z_v,
          acc_v, cnt_sh, w_sh, sem, sem_i, sem_h, sem_x):
    c = lax.axis_index("c")
    s = lax.axis_index("s")
    wid = s * _NC + c
    d = c * _NS + s
    lanes = lax.iota(jnp.int32, 16)
    zero16 = jnp.zeros((16,), jnp.float32)

    ccopy = pltpu.async_copy(ct_ref.at[d], crow_v, sem_x)
    icopy = pltpu.async_copy(ys_ref.at[pl.ds(s * _NHC, _NHC)], idx_v, sem_i)

    aux_copies = [
        pltpu.async_copy(aux_ref.at[pl.ds(0, _ZCHUNK)], z_v, sem),
        pltpu.async_copy(aux_ref.at[pl.ds(_ZCHUNK, _CHUNK)], ones_v, sem_h),
    ]
    for ac in aux_copies:
        ac.wait()
    zc = pltpu.async_copy(
        z_v, cnt_sh.at[pl.ds(s * 2 * _ZCHUNK, _ZCHUNK)], sem)
    pltpu.sync_copy(z_v, cnt_sh.at[pl.ds((s * 2 + 1) * _ZCHUNK, _ZCHUNK)])
    zc.wait()
    plsc.subcore_barrier()

    icopy.wait()
    hist_copies = [
        pltpu.async_copy(ones_v, cnt_sh.at[idx_v.at[g]], sem_h, add=True)
        for g in range(_NHC)
    ]
    for h in hist_copies:
        h.wait()
    plsc.subcore_barrier()

    cnt_copies = [
        pltpu.async_copy(cnt_sh.at[idx_v.at[g]],
                         cnt_v.at[pl.ds(g * _CHUNK, _CHUNK)], sem_h)
        for g in range(_NHC)
    ]
    for cc in cnt_copies:
        cc.wait()
    pltpu.sync_copy(cnt_v, w_sh.at[pl.ds(s * _HIST, _HIST)])
    plsc.subcore_barrier()

    ccopy.wait()
    acc = zero16
    for q in range(_BATCH // _Q):
        stage = [
            pltpu.async_copy(xsT_ref.at[d, pl.ds(q * _Q, _Q)], xrow_v, sem_x),
            pltpu.async_copy(
                ys_ref.at[pl.ds(q * (_Q // _CHUNK), _Q // _CHUNK)],
                ysq_v, sem_i),
            pltpu.async_copy(w_sh.at[pl.ds(q * _Q, _Q)], wq_v, sem),
        ]
        for sc in stage:
            sc.wait()

        def group(g, a):
            y16 = ysq_v[g >> 3, pl.ds((g & 7) * 16, 16)]
            cv = plsc.load_gather(crow_v, [y16])
            xv = xrow_v[pl.ds(g * 16, 16)]
            w16 = 0.5 / (wq_v[pl.ds(g * 16, 16)] + 1.0)
            t = xv - cv
            return a + w16 * t * t

        acc = lax.fori_loop(0, _Q // 16, group, acc)
    acc_v[...] = acc
    plsc.subcore_barrier()
    pltpu.sync_copy(acc_v, out_ref.at[pl.ds(wid * 16, 16)])


def kernel(xs, ys, center):
    ys2d = ys.astype(jnp.int32).reshape(_BATCH // _CHUNK, _CHUNK)
    xsT = xs.T
    centerT = center.T
    aux = jnp.concatenate([jnp.zeros((_ZCHUNK,), jnp.float32),
                           jnp.ones((_CHUNK,), jnp.float32)])
    mesh = plsc.VectorSubcoreMesh(
        core_axis_name="c", subcore_axis_name="s", num_cores=_NC)
    out = pl.kernel(
        _body,
        out_type=jax.ShapeDtypeStruct((_NW * 16,), jnp.float32),
        mesh=mesh,
        compiler_params=pltpu.CompilerParams(
            needs_layout_passes=False, use_tc_tiling_on_sc=True),
        scratch_types=[
            pltpu.VMEM((_NHC, _CHUNK), jnp.int32),
            pltpu.VMEM((_CLS,), jnp.float32),
            pltpu.VMEM((_Q,), jnp.float32),
            pltpu.VMEM((_Q // _CHUNK, _CHUNK), jnp.int32),
            pltpu.VMEM((_Q,), jnp.float32),
            pltpu.VMEM((_HIST,), jnp.float32),
            pltpu.VMEM((_CHUNK,), jnp.float32),
            pltpu.VMEM((_ZCHUNK,), jnp.float32),
            pltpu.VMEM((16,), jnp.float32),
            pltpu.VMEM_SHARED((_CNT_PAD,), jnp.float32),
            pltpu.VMEM_SHARED((_BATCH,), jnp.float32),
            pltpu.SemaphoreType.DMA,
            pltpu.SemaphoreType.DMA,
            pltpu.SemaphoreType.DMA,
            pltpu.SemaphoreType.DMA,
        ],
    )(ys2d, xsT, centerT, aux)
    return jnp.sum(out)

# --- scband reference (transcript-rebuilt; emitter-appended) ---
"""Pipeline reference for scband-center-loss-17583596110071 (READ-ONLY COPY).

The authoritative reference and input builder live on the scoring server;
editing this copy changes nothing except your own understanding.
"""

import jax, jax.numpy as jnp
import numpy as np

CLS_NUM = 100000
FEATURE_DIM = 32
BATCH = 16384


def setup_inputs(seed: int = 0) -> dict:
    key = jax.random.key(seed)
    k_xs, k_ys, k_center = jax.random.split(key, 3)
    xs = jax.random.normal(k_xs, (BATCH, FEATURE_DIM), dtype=jnp.float32)
    ys = jax.random.randint(k_ys, (BATCH,), 0, CLS_NUM, dtype=jnp.int64)
    center = jax.random.normal(k_center, (CLS_NUM, FEATURE_DIM), dtype=jnp.float32)
    return {"xs": xs, "ys": ys, "center": center}


def reference(xs, ys, center):
    # center_exp = self.center.index_select(dim=0, index=ys)
    center_exp = jnp.take(center, ys, axis=0)
    # count = torch.histc(ys.float(), bins=cls_num, min=0, max=cls_num-1)
    # For integer-valued ys in [0, cls_num-1], histc with these bin edges
    # reduces to a bincount over class ids.
    count = jnp.bincount(ys, length=CLS_NUM).astype(jnp.float32)
    # count_dis = count.index_select(0, ys) + 1
    count_dis = jnp.take(count, ys, axis=0) + 1.0
    # loss = sum( sum((xs - center_exp)**2, dim=1) / 2.0 / count_dis )
    sq = jnp.sum((xs - center_exp) ** 2, axis=1)
    loss = jnp.sum(sq / 2.0 / count_dis)
    return loss

if __name__ == "__main__":
    import jax
    _d = setup_inputs()
    print(jax.jit(kernel)(*tuple(_d.values())))

</pallas_src>

<mosaic_0001>
#map = affine_map<(d0, d1) -> (0, 0)>
#map1 = affine_map<(d0, d1) -> (0)>
module attributes {stable_mosaic.version = 14 : i64} {
  func.func @_body(%arg0: i32, %arg1: i32, %arg2: memref<128x128xi32, #tpu.memory_space<hbm>>, %arg3: memref<32x16384xf32, #tpu.memory_space<hbm>>, %arg4: memref<32x100000xf32, #tpu.memory_space<hbm>>, %arg5: memref<3256xf32, #tpu.memory_space<hbm>>, %arg6: memref<512xf32, #tpu.memory_space<hbm>>, %arg7: memref<8x128xi32, #tpu.memory_space<vmem>>, %arg8: memref<100000xf32, #tpu.memory_space<vmem>>, %arg9: memref<4096xf32, #tpu.memory_space<vmem>>, %arg10: memref<32x128xi32, #tpu.memory_space<vmem>>, %arg11: memref<4096xf32, #tpu.memory_space<vmem>>, %arg12: memref<1024xf32, #tpu.memory_space<vmem>>, %arg13: memref<128xf32, #tpu.memory_space<vmem>>, %arg14: memref<3128xf32, #tpu.memory_space<vmem>>, %arg15: memref<16xf32, #tpu.memory_space<vmem>>, %arg16: memref<100096xf32, #tpu.memory_space<vmem_shared>>, %arg17: memref<16384xf32, #tpu.memory_space<vmem_shared>>, %arg18: memref<!tpu.dma_semaphore, #tpu.memory_space<semaphore_mem>>, %arg19: memref<!tpu.dma_semaphore, #tpu.memory_space<semaphore_mem>>, %arg20: memref<!tpu.dma_semaphore, #tpu.memory_space<semaphore_mem>>, %arg21: memref<!tpu.dma_semaphore, #tpu.memory_space<semaphore_mem>>) attributes {dimension_semantics = [#tpu.dimension_semantics<core_parallel>, #tpu.dimension_semantics<subcore_parallel>], iteration_bounds = array<i64: 2, 16>, scalar_prefetch = 0 : i64, scratch_operands = 15 : i64, tpu.core_type = #tpu.core_type<sc_vector_subcore>, window_params = [{transform_indices = #map}, {transform_indices = #map}, {transform_indices = #map}, {transform_indices = #map1}, {transform_indices = #map1}]} {
    %mul3A = arith.constant 2 : i32
    %mul3A_0 = arith.muli %arg1, %mul3A : i32
    %add3A = arith.addi %mul3A_0, %arg0 : i32
    %mul3A_1 = arith.constant 16 : i32
    %mul3A_2 = arith.muli %arg0, %mul3A_1 : i32
    %add3A_3 = arith.addi %mul3A_2, %arg1 : i32
    %iota3A = tpu.iota {dimensions = array<i32: 0>} : vector<16xi32>
    %broadcast_in_dim3A = arith.constant 0.000000e+00 : f32
    %broadcast_in_dim3A_4 = vector.broadcast %broadcast_in_dim3A : f32 to vector<16xf32>
    %dma_start3A = arith.constant 0 : i32
    %dma_start3A_5 = tpu.memref_slice %arg4[%add3A_3, %dma_start3A] : memref<32x100000xf32, #tpu.memory_space<hbm>> -> memref<1x100000xf32, #tpu.memory_space<hbm>>
    %dma_start3A_6 = tpu.memref_squeeze %dma_start3A_5 : memref<1x100000xf32, #tpu.memory_space<hbm>> -> memref<100000xf32, #tpu.memory_space<hbm>>
    %dma_start3A_7 = arith.constant 0 : i32
    %dma_start3A_8 = tpu.memref_slice %arg4[%add3A_3, %dma_start3A_7] : memref<32x100000xf32, #tpu.memory_space<hbm>> -> memref<1x100000xf32, #tpu.memory_space<hbm>>
    %dma_start3A_9 = tpu.memref_squeeze %dma_start3A_8 : memref<1x100000xf32, #tpu.memory_space<hbm>> -> memref<100000xf32, #tpu.memory_space<hbm>>
    tpu.enqueue_dma source(%dma_start3A_9 : memref<100000xf32, #tpu.memory_space<hbm>>) target(%arg8 : memref<100000xf32, #tpu.memory_space<vmem>>) target_semaphore(%arg21 : memref<!tpu.dma_semaphore, #tpu.memory_space<semaphore_mem>>)
    %mul3A_10 = arith.constant 8 : i32
    %mul3A_11 = arith.muli %arg1, %mul3A_10 : i32
    %dma_start3A_12 = arith.constant 0 : i32
    %dma_start3A_13 = tpu.memref_slice %arg2[%mul3A_11, %dma_start3A_12] : memref<128x128xi32, #tpu.memory_space<hbm>> -> memref<8x128xi32, #tpu.memory_space<hbm>>
    %dma_start3A_14 = arith.constant 0 : i32
    %dma_start3A_15 = tpu.memref_slice %arg2[%mul3A_11, %dma_start3A_14] : memref<128x128xi32, #tpu.memory_space<hbm>> -> memref<8x128xi32, #tpu.memory_space<hbm>>
    tpu.enqueue_dma source(%dma_start3A_15 : memref<8x128xi32, #tpu.memory_space<hbm>>) target(%arg7 : memref<8x128xi32, #tpu.memory_space<vmem>>) target_semaphore(%arg19 : memref<!tpu.dma_semaphore, #tpu.memory_space<semaphore_mem>>)
    %dma_start3A_16 = arith.constant 0 : i32
    %dma_start3A_17 = tpu.memref_slice %arg5[%dma_start3A_16] : memref<3256xf32, #tpu.memory_space<hbm>> -> memref<3128xf32, #tpu.memory_space<hbm>>
    %dma_start3A_18 = arith.constant 0 : i32
    %dma_start3A_19 = tpu.memref_slice %arg5[%dma_start3A_18] : memref<3256xf32, #tpu.memory_space<hbm>> -> memref<3128xf32, #tpu.memory_space<hbm>>
    tpu.enqueue_dma source(%dma_start3A_19 : memref<3128xf32, #tpu.memory_space<hbm>>) target(%arg14 : memref<3128xf32, #tpu.memory_space<vmem>>) target_semaphore(%arg18 : memref<!tpu.dma_semaphore, #tpu.memory_space<semaphore_mem>>)
    %dma_start3A_20 = arith.constant 3128 : i32
    %dma_start3A_21 = tpu.memref_slice %arg5[%dma_start3A_20] : memref<3256xf32, #tpu.memory_space<hbm>> -> memref<128xf32, #tpu.memory_space<hbm>>
    %dma_start3A_22 = arith.constant 3128 : i32
    %dma_start3A_23 = tpu.memref_slice %arg5[%dma_start3A_22] : memref<3256xf32, #tpu.memory_space<hbm>> -> memref<128xf32, #tpu.memory_space<hbm>>
    tpu.enqueue_dma source(%dma_start3A_23 : memref<128xf32, #tpu.memory_space<hbm>>) target(%arg13 : memref<128xf32, #tpu.memory_space<vmem>>) target_semaphore(%arg20 : memref<!tpu.dma_semaphore, #tpu.memory_space<semaphore_mem>>)
    %dma_wait3A = arith.constant 0 : i32
    %dma_wait3A_24 = tpu.memref_slice %arg5[%dma_wait3A] : memref<3256xf32, #tpu.memory_space<hbm>> -> memref<3128xf32, #tpu.memory_space<hbm>>
    %dma_wait3A_25 = arith.constant 0 : i32
    %dma_wait3A_26 = tpu.memref_slice %arg5[%dma_wait3A_25] : memref<3256xf32, #tpu.memory_space<hbm>> -> memref<3128xf32, #tpu.memory_space<hbm>>
    tpu.wait_dma2 semaphore(%arg18 : memref<!tpu.dma_semaphore, #tpu.memory_space<semaphore_mem>>) src(%dma_wait3A_26 : memref<3128xf32, #tpu.memory_space<hbm>>) dst(%arg14 : memref<3128xf32, #tpu.memory_space<vmem>>)
    %dma_wait3A_27 = arith.constant 3128 : i32
    %dma_wait3A_28 = tpu.memref_slice %arg5[%dma_wait3A_27] : memref<3256xf32, #tpu.memory_space<hbm>> -> memref<128xf32, #tpu.memory_space<hbm>>
    %dma_wait3A_29 = arith.constant 3128 : i32
    %dma_wait3A_30 = tpu.memref_slice %arg5[%dma_wait3A_29] : memref<3256xf32, #tpu.memory_space<hbm>> -> memref<128xf32, #tpu.memory_space<hbm>>
    tpu.wait_dma2 semaphore(%arg20 : memref<!tpu.dma_semaphore, #tpu.memory_space<semaphore_mem>>) src(%dma_wait3A_30 : memref<128xf32, #tpu.memory_space<hbm>>) dst(%arg13 : memref<128xf32, #tpu.memory_space<vmem>>)
    %mul3A_31 = arith.constant 2 : i32
    %mul3A_32 = arith.muli %arg1, %mul3A_31 : i32
    %mul3A_33 = arith.constant 3128 : i32
    %mul3A_34 = arith.muli %mul3A_32, %mul3A_33 : i32
    %dma_start3A_35 = tpu.memref_slice %arg16[%mul3A_34] : memref<100096xf32, #tpu.memory_space<vmem_shared>> -> memref<3128xf32, #tpu.memory_space<vmem_shared>>
    %dma_start3A_36 = tpu.memref_slice %arg16[%mul3A_34] : memref<100096xf32, #tpu.memory_space<vmem_shared>> -> memref<3128xf32, #tpu.memory_space<vmem_shared>>
    tpu.enqueue_dma source(%arg14 : memref<3128xf32, #tpu.memory_space<vmem>>) target(%dma_start3A_36 : memref<3128xf32, #tpu.memory_space<vmem_shared>>) target_semaphore(%arg18 : memref<!tpu.dma_semaphore, #tpu.memory_space<semaphore_mem>>)
    %mul3A_37 = arith.constant 2 : i32
    %mul3A_38 = arith.muli %arg1, %mul3A_37 : i32
    %add3A_39 = arith.constant 1 : i32
    %add3A_40 = arith.addi %mul3A_38, %add3A_39 : i32
    %mul3A_41 = arith.constant 3128 : i32
    %mul3A_42 = arith.muli %add3A_40, %mul3A_41 : i32
    "tpu.region"() ({
      %run_scoped3A = tpu.sem_alloc : memref<!tpu.dma_semaphore, #tpu.memory_space<semaphore_mem>>
      %dma_start3A_438 = tpu.memref_slice %arg16[%mul3A_42] : memref<100096xf32, #tpu.memory_space<vmem_shared>> -> memref<3128xf32, #tpu.memory_space<vmem_shared>>
      %dma_start3A_439 = tpu.memref_slice %arg16[%mul3A_42] : memref<100096xf32, #tpu.memory_space<vmem_shared>> -> memref<3128xf32, #tpu.memory_space<vmem_shared>>
      tpu.enqueue_dma source(%arg14 : memref<3128xf32, #tpu.memory_space<vmem>>) target(%dma_start3A_439 : memref<3128xf32, #tpu.memory_space<vmem_shared>>) target_semaphore(%run_scoped3A : memref<!tpu.dma_semaphore, #tpu.memory_space<semaphore_mem>>)
      %dma_wait3A_440 = tpu.memref_slice %arg16[%mul3A_42] : memref<100096xf32, #tpu.memory_space<vmem_shared>> -> memref<3128xf32, #tpu.memory_space<vmem_shared>>
      %dma_wait3A_441 = tpu.memref_slice %arg16[%mul3A_42] : memref<100096xf32, #tpu.memory_space<vmem_shared>> -> memref<3128xf32, #tpu.memory_space<vmem_shared>>
      tpu.wait_dma2 semaphore(%run_scoped3A : memref<!tpu.dma_semaphore, #tpu.memory_space<semaphore_mem>>) src(%arg14 : memref<3128xf32, #tpu.memory_space<vmem>>) dst(%dma_wait3A_441 : memref<3128xf32, #tpu.memory_space<vmem_shared>>)
      tpu.yield
    }) : () -> ()
    %dma_wait3A_43 = tpu.memref_slice %arg16[%mul3A_34] : memref<100096xf32, #tpu.memory_space<vmem_shared>> -> memref<3128xf32, #tpu.memory_space<vmem_shared>>
    %dma_wait3A_44 = tpu.memref_slice %arg16[%mul3A_34] : memref<100096xf32, #tpu.memory_space<vmem_shared>> -> memref<3128xf32, #tpu.memory_space<vmem_shared>>
    tpu.wait_dma2 semaphore(%arg18 : memref<!tpu.dma_semaphore, #tpu.memory_space<semaphore_mem>>) src(%arg14 : memref<3128xf32, #tpu.memory_space<vmem>>) dst(%dma_wait3A_44 : memref<3128xf32, #tpu.memory_space<vmem_shared>>)
    %barrier3A = arith.constant 0 : index
    tpu.barrier barrier_id(%barrier3A)
    %dma_wait3A_45 = arith.constant 0 : i32
    %dma_wait3A_46 = tpu.memref_slice %arg2[%mul3A_11, %dma_wait3A_45] : memref<128x128xi32, #tpu.memory_space<hbm>> -> memref<8x128xi32, #tpu.memory_space<hbm>>
    %dma_wait3A_47 = arith.constant 0 : i32
    %dma_wait3A_48 = tpu.memref_slice %arg2[%mul3A_11, %dma_wait3A_47] : memref<128x128xi32, #tpu.memory_space<hbm>> -> memref<8x128xi32, #tpu.memory_space<hbm>>
    tpu.wait_dma2 semaphore(%arg19 : memref<!tpu.dma_semaphore, #tpu.memory_space<semaphore_mem>>) src(%dma_wait3A_48 : memref<8x128xi32, #tpu.memory_space<hbm>>) dst(%arg7 : memref<8x128xi32, #tpu.memory_space<vmem>>)
    %dma_start3A_49 = arith.constant 0 : i32
    %dma_start3A_50 = arith.constant 0 : i32
    %dma_start3A_51 = tpu.memref_slice %arg7[%dma_start3A_49, %dma_start3A_50] : memref<8x128xi32, #tpu.memory_space<vmem>> -> memref<1x128xi32, #tpu.memory_space<vmem>>
    %dma_start3A_52 = tpu.memref_squeeze %dma_start3A_51 : memref<1x128xi32, #tpu.memory_space<vmem>> -> memref<128xi32, #tpu.memory_space<vmem>>
    %dma_start3A_53 = arith.constant 0 : i32
    %dma_start3A_54 = tpu.memref_slice %arg16[%dma_start3A_53] : memref<100096xf32, #tpu.memory_space<vmem_shared>> -> memref<100096xf32, #tpu.memory_space<vmem_shared>>
    tpu.enqueue_indirect_dma source(%arg13 : memref<128xf32, #tpu.memory_space<vmem>>) target(%dma_start3A_54 : memref<100096xf32, #tpu.memory_space<vmem_shared>>) offsets(%dma_start3A_52 : memref<128xi32, #tpu.memory_space<vmem>>) semaphore(%arg20 : memref<!tpu.dma_semaphore, #tpu.memory_space<semaphore_mem>>) {add = true}
    %dma_start3A_55 = arith.constant 1 : i32
    %dma_start3A_56 = arith.constant 0 : i32
    %dma_start3A_57 = tpu.memref_slice %arg7[%dma_start3A_55, %dma_start3A_56] : memref<8x128xi32, #tpu.memory_space<vmem>> -> memref<1x128xi32, #tpu.memory_space<vmem>>
    %dma_start3A_58 = tpu.memref_squeeze %dma_start3A_57 : memref<1x128xi32, #tpu.memory_space<vmem>> -> memref<128xi32, #tpu.memory_space<vmem>>
    %dma_start3A_59 = arith.constant 0 : i32
    %dma_start3A_60 = tpu.memref_slice %arg16[%dma_start3A_59] : memref<100096xf32, #tpu.memory_space<vmem_shared>> -> memref<100096xf32, #tpu.memory_space<vmem_shared>>
    tpu.enqueue_indirect_dma source(%arg13 : memref<128xf32, #tpu.memory_space<vmem>>) target(%dma_start3A_60 : memref<100096xf32, #tpu.memory_space<vmem_shared>>) offsets(%dma_start3A_58 : memref<128xi32, #tpu.memory_space<vmem>>) semaphore(%arg20 : memref<!tpu.dma_semaphore, #tpu.memory_space<semaphore_mem>>) {add = true}
    %dma_start3A_61 = arith.constant 2 : i32
    %dma_start3A_62 = arith.constant 0 : i32
    %dma_start3A_63 = tpu.memref_slice %arg7[%dma_start3A_61, %dma_start3A_62] : memref<8x128xi32, #tpu.memory_space<vmem>> -> memref<1x128xi32, #tpu.memory_space<vmem>>
    %dma_start3A_64 = tpu.memref_squeeze %dma_start3A_63 : memref<1x128xi32, #tpu.memory_space<vmem>> -> memref<128xi32, #tpu.memory_space<vmem>>
    %dma_start3A_65 = arith.constant 0 : i32
    %dma_start3A_66 = tpu.memref_slice %arg16[%dma_start3A_65] : memref<100096xf32, #tpu.memory_space<vmem_shared>> -> memref<100096xf32, #tpu.memory_space<vmem_shared>>
    tpu.enqueue_indirect_dma source(%arg13 : memref<128xf32, #tpu.memory_space<vmem>>) target(%dma_start3A_66 : memref<100096xf32, #tpu.memory_space<vmem_shared>>) offsets(%dma_start3A_64 : memref<128xi32, #tpu.memory_space<vmem>>) semaphore(%arg20 : memref<!tpu.dma_semaphore, #tpu.memory_space<semaphore_mem>>) {add = true}
    %dma_start3A_67 = arith.constant 3 : i32
    %dma_start3A_68 = arith.constant 0 : i32
    %dma_start3A_69 = tpu.memref_slice %arg7[%dma_start3A_67, %dma_start3A_68] : memref<8x128xi32, #tpu.memory_space<vmem>> -> memref<1x128xi32, #tpu.memory_space<vmem>>
    %dma_start3A_70 = tpu.memref_squeeze %dma_start3A_69 : memref<1x128xi32, #tpu.memory_space<vmem>> -> memref<128xi32, #tpu.memory_space<vmem>>
    %dma_start3A_71 = arith.constant 0 : i32
    %dma_start3A_72 = tpu.memref_slice %arg16[%dma_start3A_71] : memref<100096xf32, #tpu.memory_space<vmem_shared>> -> memref<100096xf32, #tpu.memory_space<vmem_shared>>
    tpu.enqueue_indirect_dma source(%arg13 : memref<128xf32, #tpu.memory_space<vmem>>) target(%dma_start3A_72 : memref<100096xf32, #tpu.memory_space<vmem_shared>>) offsets(%dma_start3A_70 : memref<128xi32, #tpu.memory_space<vmem>>) semaphore(%arg20 : memref<!tpu.dma_semaphore, #tpu.memory_space<semaphore_mem>>) {add = true}
    %dma_start3A_73 = arith.constant 4 : i32
    %dma_start3A_74 = arith.constant 0 : i32
    %dma_start3A_75 = tpu.memref_slice %arg7[%dma_start3A_73, %dma_start3A_74] : memref<8x128xi32, #tpu.memory_space<vmem>> -> memref<1x128xi32, #tpu.memory_space<vmem>>
    %dma_start3A_76 = tpu.memref_squeeze %dma_start3A_75 : memref<1x128xi32, #tpu.memory_space<vmem>> -> memref<128xi32, #tpu.memory_space<vmem>>
    %dma_start3A_77 = arith.constant 0 : i32
    %dma_start3A_78 = tpu.memref_slice %arg16[%dma_start3A_77] : memref<100096xf32, #tpu.memory_space<vmem_shared>> -> memref<100096xf32, #tpu.memory_space<vmem_shared>>
    tpu.enqueue_indirect_dma source(%arg13 : memref<128xf32, #tpu.memory_space<vmem>>) target(%dma_start3A_78 : memref<100096xf32, #tpu.memory_space<vmem_shared>>) offsets(%dma_start3A_76 : memref<128xi32, #tpu.memory_space<vmem>>) semaphore(%arg20 : memref<!tpu.dma_semaphore, #tpu.memory_space<semaphore_mem>>) {add = true}
    %dma_start3A_79 = arith.constant 5 : i32
    %dma_start3A_80 = arith.constant 0 : i32
    %dma_start3A_81 = tpu.memref_slice %arg7[%dma_start3A_79, %dma_start3A_80] : memref<8x128xi32, #tpu.memory_space<vmem>> -> memref<1x128xi32, #tpu.memory_space<vmem>>
    %dma_start3A_82 = tpu.memref_squeeze %dma_start3A_81 : memref<1x128xi32, #tpu.memory_space<vmem>> -> memref<128xi32, #tpu.memory_space<vmem>>
    %dma_start3A_83 = arith.constant 0 : i32
    %dma_start3A_84 = tpu.memref_slice %arg16[%dma_start3A_83] : memref<100096xf32, #tpu.memory_space<vmem_shared>> -> memref<100096xf32, #tpu.memory_space<vmem_shared>>
    tpu.enqueue_indirect_dma source(%arg13 : memref<128xf32, #tpu.memory_space<vmem>>) target(%dma_start3A_84 : memref<100096xf32, #tpu.memory_space<vmem_shared>>) offsets(%dma_start3A_82 : memref<128xi32, #tpu.memory_space<vmem>>) semaphore(%arg20 : memref<!tpu.dma_semaphore, #tpu.memory_space<semaphore_mem>>) {add = true}
    %dma_start3A_85 = arith.constant 6 : i32
    %dma_start3A_86 = arith.constant 0 : i32
    %dma_start3A_87 = tpu.memref_slice %arg7[%dma_start3A_85, %dma_start3A_86] : memref<8x128xi32, #tpu.memory_space<vmem>> -> memref<1x128xi32, #tpu.memory_space<vmem>>
    %dma_start3A_88 = tpu.memref_squeeze %dma_start3A_87 : memref<1x128xi32, #tpu.memory_space<vmem>> -> memref<128xi32, #tpu.memory_space<vmem>>
    %dma_start3A_89 = arith.constant 0 : i32
    %dma_start3A_90 = tpu.memref_slice %arg16[%dma_start3A_89] : memref<100096xf32, #tpu.memory_space<vmem_shared>> -> memref<100096xf32, #tpu.memory_space<vmem_shared>>
    tpu.enqueue_indirect_dma source(%arg13 : memref<128xf32, #tpu.memory_space<vmem>>) target(%dma_start3A_90 : memref<100096xf32, #tpu.memory_space<vmem_shared>>) offsets(%dma_start3A_88 : memref<128xi32, #tpu.memory_space<vmem>>) semaphore(%arg20 : memref<!tpu.dma_semaphore, #tpu.memory_space<semaphore_mem>>) {add = true}
    %dma_start3A_91 = arith.constant 7 : i32
    %dma_start3A_92 = arith.constant 0 : i32
    %dma_start3A_93 = tpu.memref_slice %arg7[%dma_start3A_91, %dma_start3A_92] : memref<8x128xi32, #tpu.memory_space<vmem>> -> memref<1x128xi32, #tpu.memory_space<vmem>>
    %dma_start3A_94 = tpu.memref_squeeze %dma_start3A_93 : memref<1x128xi32, #tpu.memory_space<vmem>> -> memref<128xi32, #tpu.memory_space<vmem>>
    %dma_start3A_95 = arith.constant 0 : i32
    %dma_start3A_96 = tpu.memref_slice %arg16[%dma_start3A_95] : memref<100096xf32, #tpu.memory_space<vmem_shared>> -> memref<100096xf32, #tpu.memory_space<vmem_shared>>
    tpu.enqueue_indirect_dma source(%arg13 : memref<128xf32, #tpu.memory_space<vmem>>) target(%dma_start3A_96 : memref<100096xf32, #tpu.memory_space<vmem_shared>>) offsets(%dma_start3A_94 : memref<128xi32, #tpu.memory_space<vmem>>) semaphore(%arg20 : memref<!tpu.dma_semaphore, #tpu.memory_space<semaphore_mem>>) {add = true}
    %dma_wait3A_97 = arith.constant 0 : i32
    %dma_wait3A_98 = arith.constant 0 : i32
    %dma_wait3A_99 = tpu.memref_slice %arg7[%dma_wait3A_97, %dma_wait3A_98] : memref<8x128xi32, #tpu.memory_space<vmem>> -> memref<1x128xi32, #tpu.memory_space<vmem>>
    %dma_wait3A_100 = tpu.memref_squeeze %dma_wait3A_99 : memref<1x128xi32, #tpu.memory_space<vmem>> -> memref<128xi32, #tpu.memory_space<vmem>>
    %dma_wait3A_101 = arith.constant 0 : i32
    %dma_wait3A_102 = tpu.memref_slice %arg16[%dma_wait3A_101] : memref<100096xf32, #tpu.memory_space<vmem_shared>> -> memref<100096xf32, #tpu.memory_space<vmem_shared>>
    tpu.wait_indirect_dma semaphore(%arg20 : memref<!tpu.dma_semaphore, #tpu.memory_space<semaphore_mem>>) src(%arg13 : memref<128xf32, #tpu.memory_space<vmem>>) dst(%dma_wait3A_102 : memref<100096xf32, #tpu.memory_space<vmem_shared>>)
    %dma_wait3A_103 = arith.constant 1 : i32
    %dma_wait3A_104 = arith.constant 0 : i32
    %dma_wait3A_105 = tpu.memref_slice %arg7[%dma_wait3A_103, %dma_wait3A_104] : memref<8x128xi32, #tpu.memory_space<vmem>> -> memref<1x128xi32, #tpu.memory_space<vmem>>
    %dma_wait3A_106 = tpu.memref_squeeze %dma_wait3A_105 : memref<1x128xi32, #tpu.memory_space<vmem>> -> memref<128xi32, #tpu.memory_space<vmem>>
    %dma_wait3A_107 = arith.constant 0 : i32
    %dma_wait3A_108 = tpu.memref_slice %arg16[%dma_wait3A_107] : memref<100096xf32, #tpu.memory_space<vmem_shared>> -> memref<100096xf32, #tpu.memory_space<vmem_shared>>
    tpu.wait_indirect_dma semaphore(%arg20 : memref<!tpu.dma_semaphore, #tpu.memory_space<semaphore_mem>>) src(%arg13 : memref<128xf32, #tpu.memory_space<vmem>>) dst(%dma_wait3A_108 : memref<100096xf32, #tpu.memory_space<vmem_shared>>)
    %dma_wait3A_109 = arith.constant 2 : i32
    %dma_wait3A_110 = arith.constant 0 : i32
    %dma_wait3A_111 = tpu.memref_slice %arg7[%dma_wait3A_109, %dma_wait3A_110] : memref<8x128xi32, #tpu.memory_space<vmem>> -> memref<1x128xi32, #tpu.memory_space<vmem>>
    %dma_wait3A_112 = tpu.memref_squeeze %dma_wait3A_111 : memref<1x128xi32, #tpu.memory_space<vmem>> -> memref<128xi32, #tpu.memory_space<vmem>>
    %dma_wait3A_113 = arith.constant 0 : i32
    %dma_wait3A_114 = tpu.memref_slice %arg16[%dma_wait3A_113] : memref<100096xf32, #tpu.memory_space<vmem_shared>> -> memref<100096xf32, #tpu.memory_space<vmem_shared>>
    tpu.wait_indirect_dma semaphore(%arg20 : memref<!tpu.dma_semaphore, #tpu.memory_space<semaphore_mem>>) src(%arg13 : memref<128xf32, #tpu.memory_space<vmem>>) dst(%dma_wait3A_114 : memref<100096xf32, #tpu.memory_space<vmem_shared>>)
    %dma_wait3A_115 = arith.constant 3 : i32
    %dma_wait3A_116 = arith.constant 0 : i32
    %dma_wait3A_117 = tpu.memref_slice %arg7[%dma_wait3A_115, %dma_wait3A_116] : memref<8x128xi32, #tpu.memory_space<vmem>> -> memref<1x128xi32, #tpu.memory_space<vmem>>
    %dma_wait3A_118 = tpu.memref_squeeze %dma_wait3A_117 : memref<1x128xi32, #tpu.memory_space<vmem>> -> memref<128xi32, #tpu.memory_space<vmem>>
    %dma_wait3A_119 = arith.constant 0 : i32
    %dma_wait3A_120 = tpu.memref_slice %arg16[%dma_wait3A_119] : memref<100096xf32, #tpu.memory_space<vmem_shared>> -> memref<100096xf32, #tpu.memory_space<vmem_shared>>
    tpu.wait_indirect_dma semaphore(%arg20 : memref<!tpu.dma_semaphore, #tpu.memory_space<semaphore_mem>>) src(%arg13 : memref<128xf32, #tpu.memory_space<vmem>>) dst(%dma_wait3A_120 : memref<100096xf32, #tpu.memory_space<vmem_shared>>)
    %dma_wait3A_121 = arith.constant 4 : i32
    %dma_wait3A_122 = arith.constant 0 : i32
    %dma_wait3A_123 = tpu.memref_slice %arg7[%dma_wait3A_121, %dma_wait3A_122] : memref<8x128xi32, #tpu.memory_space<vmem>> -> memref<1x128xi32, #tpu.memory_space<vmem>>
    %dma_wait3A_124 = tpu.memref_squeeze %dma_wait3A_123 : memref<1x128xi32, #tpu.memory_space<vmem>> -> memref<128xi32, #tpu.memory_space<vmem>>
    %dma_wait3A_125 = arith.constant 0 : i32
    %dma_wait3A_126 = tpu.memref_slice %arg16[%dma_wait3A_125] : memref<100096xf32, #tpu.memory_space<vmem_shared>> -> memref<100096xf32, #tpu.memory_space<vmem_shared>>
    tpu.wait_indirect_dma semaphore(%arg20 : memref<!tpu.dma_semaphore, #tpu.memory_space<semaphore_mem>>) src(%arg13 : memref<128xf32, #tpu.memory_space<vmem>>) dst(%dma_wait3A_126 : memref<100096xf32, #tpu.memory_space<vmem_shared>>)
    %dma_wait3A_127 = arith.constant 5 : i32
    %dma_wait3A_128 = arith.constant 0 : i32
    %dma_wait3A_129 = tpu.memref_slice %arg7[%dma_wait3A_127, %dma_wait3A_128] : memref<8x128xi32, #tpu.memory_space<vmem>> -> memref<1x128xi32, #tpu.memory_space<vmem>>
    %dma_wait3A_130 = tpu.memref_squeeze %dma_wait3A_129 : memref<1x128xi32, #tpu.memory_space<vmem>> -> memref<128xi32, #tpu.memory_space<vmem>>
    %dma_wait3A_131 = arith.constant 0 : i32
    %dma_wait3A_132 = tpu.memref_slice %arg16[%dma_wait3A_131] : memref<100096xf32, #tpu.memory_space<vmem_shared>> -> memref<100096xf32, #tpu.memory_space<vmem_shared>>
    tpu.wait_indirect_dma semaphore(%arg20 : memref<!tpu.dma_semaphore, #tpu.memory_space<semaphore_mem>>) src(%arg13 : memref<128xf32, #tpu.memory_space<vmem>>) dst(%dma_wait3A_132 : memref<100096xf32, #tpu.memory_space<vmem_shared>>)
    %dma_wait3A_133 = arith.constant 6 : i32
    %dma_wait3A_134 = arith.constant 0 : i32
    %dma_wait3A_135 = tpu.memref_slice %arg7[%dma_wait3A_133, %dma_wait3A_134] : memref<8x128xi32, #tpu.memory_space<vmem>> -> memref<1x128xi32, #tpu.memory_space<vmem>>
    %dma_wait3A_136 = tpu.memref_squeeze %dma_wait3A_135 : memref<1x128xi32, #tpu.memory_space<vmem>> -> memref<128xi32, #tpu.memory_space<vmem>>
    %dma_wait3A_137 = arith.constant 0 : i32
    %dma_wait3A_138 = tpu.memref_slice %arg16[%dma_wait3A_137] : memref<100096xf32, #tpu.memory_space<vmem_shared>> -> memref<100096xf32, #tpu.memory_space<vmem_shared>>
    tpu.wait_indirect_dma semaphore(%arg20 : memref<!tpu.dma_semaphore, #tpu.memory_space<semaphore_mem>>) src(%arg13 : memref<128xf32, #tpu.memory_space<vmem>>) dst(%dma_wait3A_138 : memref<100096xf32, #tpu.memory_space<vmem_shared>>)
    %dma_wait3A_139 = arith.constant 7 : i32
    %dma_wait3A_140 = arith.constant 0 : i32
    %dma_wait3A_141 = tpu.memref_slice %arg7[%dma_wait3A_139, %dma_wait3A_140] : memref<8x128xi32, #tpu.memory_space<vmem>> -> memref<1x128xi32, #tpu.memory_space<vmem>>
    %dma_wait3A_142 = tpu.memref_squeeze %dma_wait3A_141 : memref<1x128xi32, #tpu.memory_space<vmem>> -> memref<128xi32, #tpu.memory_space<vmem>>
    %dma_wait3A_143 = arith.constant 0 : i32
    %dma_wait3A_144 = tpu.memref_slice %arg16[%dma_wait3A_143] : memref<100096xf32, #tpu.memory_space<vmem_shared>> -> memref<100096xf32, #tpu.memory_space<vmem_shared>>
    tpu.wait_indirect_dma semaphore(%arg20 : memref<!tpu.dma_semaphore, #tpu.memory_space<semaphore_mem>>) src(%arg13 : memref<128xf32, #tpu.memory_space<vmem>>) dst(%dma_wait3A_144 : memref<100096xf32, #tpu.memory_space<vmem_shared>>)
    %barrier3A_145 = arith.constant 0 : index
    tpu.barrier barrier_id(%barrier3A_145)
    %dma_start3A_146 = arith.constant 0 : i32
    %dma_start3A_147 = arith.constant 0 : i32
    %dma_start3A_148 = tpu.memref_slice %arg12[%dma_start3A_147] : memref<1024xf32, #tpu.memory_space<vmem>> -> memref<128xf32, #tpu.memory_space<vmem>>
    %dma_start3A_149 = arith.constant 0 : i32
    %dma_start3A_150 = tpu.memref_slice %arg7[%dma_start3A_146, %dma_start3A_149] : memref<8x128xi32, #tpu.memory_space<vmem>> -> memref<1x128xi32, #tpu.memory_space<vmem>>
    %dma_start3A_151 = tpu.memref_squeeze %dma_start3A_150 : memref<1x128xi32, #tpu.memory_space<vmem>> -> memref<128xi32, #tpu.memory_space<vmem>>
    %dma_start3A_152 = arith.constant 0 : i32
    %dma_start3A_153 = tpu.memref_slice %arg16[%dma_start3A_152] : memref<100096xf32, #tpu.memory_space<vmem_shared>> -> memref<100096xf32, #tpu.memory_space<vmem_shared>>
    tpu.enqueue_indirect_dma source(%dma_start3A_153 : memref<100096xf32, #tpu.memory_space<vmem_shared>>) target(%dma_start3A_148 : memref<128xf32, #tpu.memory_space<vmem>>) offsets(%dma_start3A_151 : memref<128xi32, #tpu.memory_space<vmem>>) semaphore(%arg20 : memref<!tpu.dma_semaphore, #tpu.memory_space<semaphore_mem>>)
    %dma_start3A_154 = arith.constant 1 : i32
    %dma_start3A_155 = arith.constant 128 : i32
    %dma_start3A_156 = tpu.memref_slice %arg12[%dma_start3A_155] : memref<1024xf32, #tpu.memory_space<vmem>> -> memref<128xf32, #tpu.memory_space<vmem>>
    %dma_start3A_157 = arith.constant 0 : i32
    %dma_start3A_158 = tpu.memref_slice %arg7[%dma_start3A_154, %dma_start3A_157] : memref<8x128xi32, #tpu.memory_space<vmem>> -> memref<1x128xi32, #tpu.memory_space<vmem>>
    %dma_start3A_159 = tpu.memref_squeeze %dma_start3A_158 : memref<1x128xi32, #tpu.memory_space<vmem>> -> memref<128xi32, #tpu.memory_space<vmem>>
    %dma_start3A_160 = arith.constant 0 : i32
    %dma_start3A_161 = tpu.memref_slice %arg16[%dma_start3A_160] : memref<100096xf32, #tpu.memory_space<vmem_shared>> -> memref<100096xf32, #tpu.memory_space<vmem_shared>>
    tpu.enqueue_indirect_dma source(%dma_start3A_161 : memref<100096xf32, #tpu.memory_space<vmem_shared>>) target(%dma_start3A_156 : memref<128xf32, #tpu.memory_space<vmem>>) offsets(%dma_start3A_159 : memref<128xi32, #tpu.memory_space<vmem>>) semaphore(%arg20 : memref<!tpu.dma_semaphore, #tpu.memory_space<semaphore_mem>>)
    %dma_start3A_162 = arith.constant 2 : i32
    %dma_start3A_163 = arith.constant 256 : i32
    %dma_start3A_164 = tpu.memref_slice %arg12[%dma_start3A_163] : memref<1024xf32, #tpu.memory_space<vmem>> -> memref<128xf32, #tpu.memory_space<vmem>>
    %dma_start3A_165 = arith.constant 0 : i32
    %dma_start3A_166 = tpu.memref_slice %arg7[%dma_start3A_162, %dma_start3A_165] : memref<8x128xi32, #tpu.memory_space<vmem>> -> memref<1x128xi32, #tpu.memory_space<vmem>>
    %dma_start3A_167 = tpu.memref_squeeze %dma_start3A_166 : memref<1x128xi32, #tpu.memory_space<vmem>> -> memref<128xi32, #tpu.memory_space<vmem>>
    %dma_start3A_168 = arith.constant 0 : i32
    %dma_start3A_169 = tpu.memref_slice %arg16[%dma_start3A_168] : memref<100096xf32, #tpu.memory_space<vmem_shared>> -> memref<100096xf32, #tpu.memory_space<vmem_shared>>
    tpu.enqueue_indirect_dma source(%dma_start3A_169 : memref<100096xf32, #tpu.memory_space<vmem_shared>>) target(%dma_start3A_164 : memref<128xf32, #tpu.memory_space<vmem>>) offsets(%dma_start3A_167 : memref<128xi32, #tpu.memory_space<vmem>>) semaphore(%arg20 : memref<!tpu.dma_semaphore, #tpu.memory_space<semaphore_mem>>)
    %dma_start3A_170 = arith.constant 3 : i32
    %dma_start3A_171 = arith.constant 384 : i32
    %dma_start3A_172 = tpu.memref_slice %arg12[%dma_start3A_171] : memref<1024xf32, #tpu.memory_space<vmem>> -> memref<128xf32, #tpu.memory_space<vmem>>
    %dma_start3A_173 = arith.constant 0 : i32
    %dma_start3A_174 = tpu.memref_slice %arg7[%dma_start3A_170, %dma_start3A_173] : memref<8x128xi32, #tpu.memory_space<vmem>> -> memref<1x128xi32, #tpu.memory_space<vmem>>
    %dma_start3A_175 = tpu.memref_squeeze %dma_start3A_174 : memref<1x128xi32, #tpu.memory_space<vmem>> -> memref<128xi32, #tpu.memory_space<vmem>>
    %dma_start3A_176 = arith.constant 0 : i32
    %dma_start3A_177 = tpu.memref_slice %arg16[%dma_start3A_176] : memref<100096xf32, #tpu.memory_space<vmem_shared>> -> memref<100096xf32, #tpu.memory_space<vmem_shared>>
    tpu.enqueue_indirect_dma source(%dma_start3A_177 : memref<100096xf32, #tpu.memory_space<vmem_shared>>) target(%dma_start3A_172 : memref<128xf32, #tpu.memory_space<vmem>>) offsets(%dma_start3A_175 : memref<128xi32, #tpu.memory_space<vmem>>) semaphore(%arg20 : memref<!tpu.dma_semaphore, #tpu.memory_space<semaphore_mem>>)
    %dma_start3A_178 = arith.constant 4 : i32
    %dma_start3A_179 = arith.constant 512 : i32
    %dma_start3A_180 = tpu.memref_slice %arg12[%dma_start3A_179] : memref<1024xf32, #tpu.memory_space<vmem>> -> memref<128xf32, #tpu.memory_space<vmem>>
    %dma_start3A_181 = arith.constant 0 : i32
    %dma_start3A_182 = tpu.memref_slice %arg7[%dma_start3A_178, %dma_start3A_181] : memref<8x128xi32, #tpu.memory_space<vmem>> -> memref<1x128xi32, #tpu.memory_space<vmem>>
    %dma_start3A_183 = tpu.memref_squeeze %dma_start3A_182 : memref<1x128xi32, #tpu.memory_space<vmem>> -> memref<128xi32, #tpu.memory_space<vmem>>
    %dma_start3A_184 = arith.constant 0 : i32
    %dma_start3A_185 = tpu.memref_slice %arg16[%dma_start3A_184] : memref<100096xf32, #tpu.memory_space<vmem_shared>> -> memref<100096xf32, #tpu.memory_space<vmem_shared>>
    tpu.enqueue_indirect_dma source(%dma_start3A_185 : memref<100096xf32, #tpu.memory_space<vmem_shared>>) target(%dma_start3A_180 : memref<128xf32, #tpu.memory_space<vmem>>) offsets(%dma_start3A_183 : memref<128xi32, #tpu.memory_space<vmem>>) semaphore(%arg20 : memref<!tpu.dma_semaphore, #tpu.memory_space<semaphore_mem>>)
    %dma_start3A_186 = arith.constant 5 : i32
    %dma_start3A_187 = arith.constant 640 : i32
    %dma_start3A_188 = tpu.memref_slice %arg12[%dma_start3A_187] : memref<1024xf32, #tpu.memory_space<vmem>> -> memref<128xf32, #tpu.memory_space<vmem>>
    %dma_start3A_189 = arith.constant 0 : i32
    %dma_start3A_190 = tpu.memref_slice %arg7[%dma_start3A_186, %dma_start3A_189] : memref<8x128xi32, #tpu.memory_space<vmem>> -> memref<1x128xi32, #tpu.memory_space<vmem>>
    %dma_start3A_191 = tpu.memref_squeeze %dma_start3A_190 : memref<1x128xi32, #tpu.memory_space<vmem>> -> memref<128xi32, #tpu.memory_space<vmem>>
    %dma_start3A_192 = arith.constant 0 : i32
    %dma_start3A_193 = tpu.memref_slice %arg16[%dma_start3A_192] : memref<100096xf32, #tpu.memory_space<vmem_shared>> -> memref<100096xf32, #tpu.memory_space<vmem_shared>>
    tpu.enqueue_indirect_dma source(%dma_start3A_193 : memref<100096xf32, #tpu.memory_space<vmem_shared>>) target(%dma_start3A_188 : memref<128xf32, #tpu.memory_space<vmem>>) offsets(%dma_start3A_191 : memref<128xi32, #tpu.memory_space<vmem>>) semaphore(%arg20 : memref<!tpu.dma_semaphore, #tpu.memory_space<semaphore_mem>>)
    %dma_start3A_194 = arith.constant 6 : i32
    %dma_start3A_195 = arith.constant 768 : i32
    %dma_start3A_196 = tpu.memref_slice %arg12[%dma_start3A_195] : memref<1024xf32, #tpu.memory_space<vmem>> -> memref<128xf32, #tpu.memory_space<vmem>>
    %dma_start3A_197 = arith.constant 0 : i32
    %dma_start3A_198 = tpu.memref_slice %arg7[%dma_start3A_194, %dma_start3A_197] : memref<8x128xi32, #tpu.memory_space<vmem>> -> memref<1x128xi32, #tpu.memory_space<vmem>>
    %dma_start3A_199 = tpu.memref_squeeze %dma_start3A_198 : memref<1x128xi32, #tpu.memory_space<vmem>> -> memref<128xi32, #tpu.memory_space<vmem>>
    %dma_start3A_200 = arith.constant 0 : i32
    %dma_start3A_201 = tpu.memref_slice %arg16[%dma_start3A_200] : memref<100096xf32, #tpu.memory_space<vmem_shared>> -> memref<100096xf32, #tpu.memory_space<vmem_shared>>
    tpu.enqueue_indirect_dma source(%dma_start3A_201 : memref<100096xf32, #tpu.memory_space<vmem_shared>>) target(%dma_start3A_196 : memref<128xf32, #tpu.memory_space<vmem>>) offsets(%dma_start3A_199 : memref<128xi32, #tpu.memory_space<vmem>>) semaphore(%arg20 : memref<!tpu.dma_semaphore, #tpu.memory_space<semaphore_mem>>)
    %dma_start3A_202 = arith.constant 7 : i32
    %dma_start3A_203 = arith.constant 896 : i32
    %dma_start3A_204 = tpu.memref_slice %arg12[%dma_start3A_203] : memref<1024xf32, #tpu.memory_space<vmem>> -> memref<128xf32, #tpu.memory_space<vmem>>
    %dma_start3A_205 = arith.constant 0 : i32
    %dma_start3A_206 = tpu.memref_slice %arg7[%dma_start3A_202, %dma_start3A_205] : memref<8x128xi32, #tpu.memory_space<vmem>> -> memref<1x128xi32, #tpu.memory_space<vmem>>
    %dma_start3A_207 = tpu.memref_squeeze %dma_start3A_206 : memref<1x128xi32, #tpu.memory_space<vmem>> -> memref<128xi32, #tpu.memory_space<vmem>>
    %dma_start3A_208 = arith.constant 0 : i32
    %dma_start3A_209 = tpu.memref_slice %arg16[%dma_start3A_208] : memref<100096xf32, #tpu.memory_space<vmem_shared>> -> memref<100096xf32, #tpu.memory_space<vmem_shared>>
    tpu.enqueue_indirect_dma source(%dma_start3A_209 : memref<100096xf32, #tpu.memory_space<vmem_shared>>) target(%dma_start3A_204 : memref<128xf32, #tpu.memory_space<vmem>>) offsets(%dma_start3A_207 : memref<128xi32, #tpu.memory_space<vmem>>) semaphore(%arg20 : memref<!tpu.dma_semaphore, #tpu.memory_space<semaphore_mem>>)
    %dma_wait3A_210 = arith.constant 0 : i32
    %dma_wait3A_211 = arith.constant 0 : i32
    %dma_wait3A_212 = tpu.memref_slice %arg12[%dma_wait3A_211] : memref<1024xf32, #tpu.memory_space<vmem>> -> memref<128xf32, #tpu.memory_space<vmem>>
    %dma_wait3A_213 = arith.constant 0 : i32
    %dma_wait3A_214 = tpu.memref_slice %arg7[%dma_wait3A_210, %dma_wait3A_213] : memref<8x128xi32, #tpu.memory_space<vmem>> -> memref<1x128xi32, #tpu.memory_space<vmem>>
    %dma_wait3A_215 = tpu.memref_squeeze %dma_wait3A_214 : memref<1x128xi32, #tpu.memory_space<vmem>> -> memref<128xi32, #tpu.memory_space<vmem>>
    %dma_wait3A_216 = arith.constant 0 : i32
    %dma_wait3A_217 = tpu.memref_slice %arg16[%dma_wait3A_216] : memref<100096xf32, #tpu.memory_space<vmem_shared>> -> memref<100096xf32, #tpu.memory_space<vmem_shared>>
    tpu.wait_indirect_dma semaphore(%arg20 : memref<!tpu.dma_semaphore, #tpu.memory_space<semaphore_mem>>) src(%dma_wait3A_217 : memref<100096xf32, #tpu.memory_space<vmem_shared>>) dst(%dma_wait3A_212 : memref<128xf32, #tpu.memory_space<vmem>>)
    %dma_wait3A_218 = arith.constant 1 : i32
    %dma_wait3A_219 = arith.constant 128 : i32
    %dma_wait3A_220 = tpu.memref_slice %arg12[%dma_wait3A_219] : memref<1024xf32, #tpu.memory_space<vmem>> -> memref<128xf32, #tpu.memory_space<vmem>>
    %dma_wait3A_221 = arith.constant 0 : i32
    %dma_wait3A_222 = tpu.memref_slice %arg7[%dma_wait3A_218, %dma_wait3A_221] : memref<8x128xi32, #tpu.memory_space<vmem>> -> memref<1x128xi32, #tpu.memory_space<vmem>>
    %dma_wait3A_223 = tpu.memref_squeeze %dma_wait3A_222 : memref<1x128xi32, #tpu.memory_space<vmem>> -> memref<128xi32, #tpu.memory_space<vmem>>
    %dma_wait3A_224 = arith.constant 0 : i32
    %dma_wait3A_225 = tpu.memref_slice %arg16[%dma_wait3A_224] : memref<100096xf32, #tpu.memory_space<vmem_shared>> -> memref<100096xf32, #tpu.memory_space<vmem_shared>>
    tpu.wait_indirect_dma semaphore(%arg20 : memref<!tpu.dma_semaphore, #tpu.memory_space<semaphore_mem>>) src(%dma_wait3A_225 : memref<100096xf32, #tpu.memory_space<vmem_shared>>) dst(%dma_wait3A_220 : memref<128xf32, #tpu.memory_space<vmem>>)
    %dma_wait3A_226 = arith.constant 2 : i32
    %dma_wait3A_227 = arith.constant 256 : i32
    %dma_wait3A_228 = tpu.memref_slice %arg12[%dma_wait3A_227] : memref<1024xf32, #tpu.memory_space<vmem>> -> memref<128xf32, #tpu.memory_space<vmem>>
    %dma_wait3A_229 = arith.constant 0 : i32
    %dma_wait3A_230 = tpu.memref_slice %arg7[%dma_wait3A_226, %dma_wait3A_229] : memref<8x128xi32, #tpu.memory_space<vmem>> -> memref<1x128xi32, #tpu.memory_space<vmem>>
    %dma_wait3A_231 = tpu.memref_squeeze %dma_wait3A_230 : memref<1x128xi32, #tpu.memory_space<vmem>> -> memref<128xi32, #tpu.memory_space<vmem>>
    %dma_wait3A_232 = arith.constant 0 : i32
    %dma_wait3A_233 = tpu.memref_slice %arg16[%dma_wait3A_232] : memref<100096xf32, #tpu.memory_space<vmem_shared>> -> memref<100096xf32, #tpu.memory_space<vmem_shared>>
    tpu.wait_indirect_dma semaphore(%arg20 : memref<!tpu.dma_semaphore, #tpu.memory_space<semaphore_mem>>) src(%dma_wait3A_233 : memref<100096xf32, #tpu.memory_space<vmem_shared>>) dst(%dma_wait3A_228 : memref<128xf32, #tpu.memory_space<vmem>>)
    %dma_wait3A_234 = arith.constant 3 : i32
    %dma_wait3A_235 = arith.constant 384 : i32
    %dma_wait3A_236 = tpu.memref_slice %arg12[%dma_wait3A_235] : memref<1024xf32, #tpu.memory_space<vmem>> -> memref<128xf32, #tpu.memory_space<vmem>>
    %dma_wait3A_237 = arith.constant 0 : i32
    %dma_wait3A_238 = tpu.memref_slice %arg7[%dma_wait3A_234, %dma_wait3A_237] : memref<8x128xi32, #tpu.memory_space<vmem>> -> memref<1x128xi32, #tpu.memory_space<vmem>>
    %dma_wait3A_239 = tpu.memref_squeeze %dma_wait3A_238 : memref<1x128xi32, #tpu.memory_space<vmem>> -> memref<128xi32, #tpu.memory_space<vmem>>
    %dma_wait3A_240 = arith.constant 0 : i32
    %dma_wait3A_241 = tpu.memref_slice %arg16[%dma_wait3A_240] : memref<100096xf32, #tpu.memory_space<vmem_shared>> -> memref<100096xf32, #tpu.memory_space<vmem_shared>>
    tpu.wait_indirect_dma semaphore(%arg20 : memref<!tpu.dma_semaphore, #tpu.memory_space<semaphore_mem>>) src(%dma_wait3A_241 : memref<100096xf32, #tpu.memory_space<vmem_shared>>) dst(%dma_wait3A_236 : memref<128xf32, #tpu.memory_space<vmem>>)
    %dma_wait3A_242 = arith.constant 4 : i32
    %dma_wait3A_243 = arith.constant 512 : i32
    %dma_wait3A_244 = tpu.memref_slice %arg12[%dma_wait3A_243] : memref<1024xf32, #tpu.memory_space<vmem>> -> memref<128xf32, #tpu.memory_space<vmem>>
    %dma_wait3A_245 = arith.constant 0 : i32
    %dma_wait3A_246 = tpu.memref_slice %arg7[%dma_wait3A_242, %dma_wait3A_245] : memref<8x128xi32, #tpu.memory_space<vmem>> -> memref<1x128xi32, #tpu.memory_space<vmem>>
    %dma_wait3A_247 = tpu.memref_squeeze %dma_wait3A_246 : memref<1x128xi32, #tpu.memory_space<vmem>> -> memref<128xi32, #tpu.memory_space<vmem>>
    %dma_wait3A_248 = arith.constant 0 : i32
    %dma_wait3A_249 = tpu.memref_slice %arg16[%dma_wait3A_248] : memref<100096xf32, #tpu.memory_space<vmem_shared>> -> memref<100096xf32, #tpu.memory_space<vmem_shared>>
    tpu.wait_indirect_dma semaphore(%arg20 : memref<!tpu.dma_semaphore, #tpu.memory_space<semaphore_mem>>) src(%dma_wait3A_249 : memref<100096xf32, #tpu.memory_space<vmem_shared>>) dst(%dma_wait3A_244 : memref<128xf32, #tpu.memory_space<vmem>>)
    %dma_wait3A_250 = arith.constant 5 : i32
    %dma_wait3A_251 = arith.constant 640 : i32
    %dma_wait3A_252 = tpu.memref_slice %arg12[%dma_wait3A_251] : memref<1024xf32, #tpu.memory_space<vmem>> -> memref<128xf32, #tpu.memory_space<vmem>>
    %dma_wait3A_253 = arith.constant 0 : i32
    %dma_wait3A_254 = tpu.memref_slice %arg7[%dma_wait3A_250, %dma_wait3A_253] : memref<8x128xi32, #tpu.memory_space<vmem>> -> memref<1x128xi32, #tpu.memory_space<vmem>>
    %dma_wait3A_255 = tpu.memref_squeeze %dma_wait3A_254 : memref<1x128xi32, #tpu.memory_space<vmem>> -> memref<128xi32, #tpu.memory_space<vmem>>
    %dma_wait3A_256 = arith.constant 0 : i32
    %dma_wait3A_257 = tpu.memref_slice %arg16[%dma_wait3A_256] : memref<100096xf32, #tpu.memory_space<vmem_shared>> -> memref<100096xf32, #tpu.memory_space<vmem_shared>>
    tpu.wait_indirect_dma semaphore(%arg20 : memref<!tpu.dma_semaphore, #tpu.memory_space<semaphore_mem>>) src(%dma_wait3A_257 : memref<100096xf32, #tpu.memory_space<vmem_shared>>) dst(%dma_wait3A_252 : memref<128xf32, #tpu.memory_space<vmem>>)
    %dma_wait3A_258 = arith.constant 6 : i32
    %dma_wait3A_259 = arith.constant 768 : i32
    %dma_wait3A_260 = tpu.memref_slice %arg12[%dma_wait3A_259] : memref<1024xf32, #tpu.memory_space<vmem>> -> memref<128xf32, #tpu.memory_space<vmem>>
    %dma_wait3A_261 = arith.constant 0 : i32
    %dma_wait3A_262 = tpu.memref_slice %arg7[%dma_wait3A_258, %dma_wait3A_261] : memref<8x128xi32, #tpu.memory_space<vmem>> -> memref<1x128xi32, #tpu.memory_space<vmem>>
    %dma_wait3A_263 = tpu.memref_squeeze %dma_wait3A_262 : memref<1x128xi32, #tpu.memory_space<vmem>> -> memref<128xi32, #tpu.memory_space<vmem>>
    %dma_wait3A_264 = arith.constant 0 : i32
    %dma_wait3A_265 = tpu.memref_slice %arg16[%dma_wait3A_264] : memref<100096xf32, #tpu.memory_space<vmem_shared>> -> memref<100096xf32, #tpu.memory_space<vmem_shared>>
    tpu.wait_indirect_dma semaphore(%arg20 : memref<!tpu.dma_semaphore, #tpu.memory_space<semaphore_mem>>) src(%dma_wait3A_265 : memref<100096xf32, #tpu.memory_space<vmem_shared>>) dst(%dma_wait3A_260 : memref<128xf32, #tpu.memory_space<vmem>>)
    %dma_wait3A_266 = arith.constant 7 : i32
    %dma_wait3A_267 = arith.constant 896 : i32
    %dma_wait3A_268 = tpu.memref_slice %arg12[%dma_wait3A_267] : memref<1024xf32, #tpu.memory_space<vmem>> -> memref<128xf32, #tpu.memory_space<vmem>>
    %dma_wait3A_269 = arith.constant 0 : i32
    %dma_wait3A_270 = tpu.memref_slice %arg7[%dma_wait3A_266, %dma_wait3A_269] : memref<8x128xi32, #tpu.memory_space<vmem>> -> memref<1x128xi32, #tpu.memory_space<vmem>>
    %dma_wait3A_271 = tpu.memref_squeeze %dma_wait3A_270 : memref<1x128xi32, #tpu.memory_space<vmem>> -> memref<128xi32, #tpu.memory_space<vmem>>
    %dma_wait3A_272 = arith.constant 0 : i32
    %dma_wait3A_273 = tpu.memref_slice %arg16[%dma_wait3A_272] : memref<100096xf32, #tpu.memory_space<vmem_shared>> -> memref<100096xf32, #tpu.memory_space<vmem_shared>>
    tpu.wait_indirect_dma semaphore(%arg20 : memref<!tpu.dma_semaphore, #tpu.memory_space<semaphore_mem>>) src(%dma_wait3A_273 : memref<100096xf32, #tpu.memory_space<vmem_shared>>) dst(%dma_wait3A_268 : memref<128xf32, #tpu.memory_space<vmem>>)
    %mul3A_274 = arith.constant 1024 : i32
    %mul3A_275 = arith.muli %arg1, %mul3A_274 : i32
    "tpu.region"() ({
      %run_scoped3A = tpu.sem_alloc : memref<!tpu.dma_semaphore, #tpu.memory_space<semaphore_mem>>
      %dma_start3A_438 = tpu.memref_slice %arg17[%mul3A_275] : memref<16384xf32, #tpu.memory_space<vmem_shared>> -> memref<1024xf32, #tpu.memory_space<vmem_shared>>
      %dma_start3A_439 = tpu.memref_slice %arg17[%mul3A_275] : memref<16384xf32, #tpu.memory_space<vmem_shared>> -> memref<1024xf32, #tpu.memory_space<vmem_shared>>
      tpu.enqueue_dma source(%arg12 : memref<1024xf32, #tpu.memory_space<vmem>>) target(%dma_start3A_439 : memref<1024xf32, #tpu.memory_space<vmem_shared>>) target_semaphore(%run_scoped3A : memref<!tpu.dma_semaphore, #tpu.memory_space<semaphore_mem>>)
      %dma_wait3A_440 = tpu.memref_slice %arg17[%mul3A_275] : memref<16384xf32, #tpu.memory_space<vmem_shared>> -> memref<1024xf32, #tpu.memory_space<vmem_shared>>
      %dma_wait3A_441 = tpu.memref_slice %arg17[%mul3A_275] : memref<16384xf32, #tpu.memory_space<vmem_shared>> -> memref<1024xf32, #tpu.memory_space<vmem_shared>>
      tpu.wait_dma2 semaphore(%run_scoped3A : memref<!tpu.dma_semaphore, #tpu.memory_space<semaphore_mem>>) src(%arg12 : memref<1024xf32, #tpu.memory_space<vmem>>) dst(%dma_wait3A_441 : memref<1024xf32, #tpu.memory_space<vmem_shared>>)
      tpu.yield
    }) : () -> ()
    %barrier3A_276 = arith.constant 0 : index
    tpu.barrier barrier_id(%barrier3A_276)
    %dma_wait3A_277 = arith.constant 0 : i32
    %dma_wait3A_278 = tpu.memref_slice %arg4[%add3A_3, %dma_wait3A_277] : memref<32x100000xf32, #tpu.memory_space<hbm>> -> memref<1x100000xf32, #tpu.memory_space<hbm>>
    %dma_wait3A_279 = tpu.memref_squeeze %dma_wait3A_278 : memref<1x100000xf32, #tpu.memory_space<hbm>> -> memref<100000xf32, #tpu.memory_space<hbm>>
    %dma_wait3A_280 = arith.constant 0 : i32
    %dma_wait3A_281 = tpu.memref_slice %arg4[%add3A_3, %dma_wait3A_280] : memref<32x100000xf32, #tpu.memory_space<hbm>> -> memref<1x100000xf32, #tpu.memory_space<hbm>>
    %dma_wait3A_282 = tpu.memref_squeeze %dma_wait3A_281 : memref<1x100000xf32, #tpu.memory_space<hbm>> -> memref<100000xf32, #tpu.memory_space<hbm>>
    tpu.wait_dma2 semaphore(%arg21 : memref<!tpu.dma_semaphore, #tpu.memory_space<semaphore_mem>>) src(%dma_wait3A_282 : memref<100000xf32, #tpu.memory_space<hbm>>) dst(%arg8 : memref<100000xf32, #tpu.memory_space<vmem>>)
    %dma_start3A_283 = arith.constant 0 : i32
    %dma_start3A_284 = tpu.memref_slice %arg3[%add3A_3, %dma_start3A_283] : memref<32x16384xf32, #tpu.memory_space<hbm>> -> memref<1x4096xf32, #tpu.memory_space<hbm>>
    %dma_start3A_285 = tpu.memref_squeeze %dma_start3A_284 : memref<1x4096xf32, #tpu.memory_space<hbm>> -> memref<4096xf32, #tpu.memory_space<hbm>>
    %dma_start3A_286 = arith.constant 0 : i32
    %dma_start3A_287 = tpu.memref_slice %arg3[%add3A_3, %dma_start3A_286] : memref<32x16384xf32, #tpu.memory_space<hbm>> -> memref<1x4096xf32, #tpu.memory_space<hbm>>
    %dma_start3A_288 = tpu.memref_squeeze %dma_start3A_287 : memref<1x4096xf32, #tpu.memory_space<hbm>> -> memref<4096xf32, #tpu.memory_space<hbm>>
    tpu.enqueue_dma source(%dma_start3A_288 : memref<4096xf32, #tpu.memory_space<hbm>>) target(%arg9 : memref<4096xf32, #tpu.memory_space<vmem>>) target_semaphore(%arg21 : memref<!tpu.dma_semaphore, #tpu.memory_space<semaphore_mem>>)
    %dma_start3A_289 = arith.constant 0 : i32
    %dma_start3A_290 = arith.constant 0 : i32
    %dma_start3A_291 = tpu.memref_slice %arg2[%dma_start3A_289, %dma_start3A_290] : memref<128x128xi32, #tpu.memory_space<hbm>> -> memref<32x128xi32, #tpu.memory_space<hbm>>
    %dma_start3A_292 = arith.constant 0 : i32
    %dma_start3A_293 = arith.constant 0 : i32
    %dma_start3A_294 = tpu.memref_slice %arg2[%dma_start3A_292, %dma_start3A_293] : memref<128x128xi32, #tpu.memory_space<hbm>> -> memref<32x128xi32, #tpu.memory_space<hbm>>
    tpu.enqueue_dma source(%dma_start3A_294 : memref<32x128xi32, #tpu.memory_space<hbm>>) target(%arg10 : memref<32x128xi32, #tpu.memory_space<vmem>>) target_semaphore(%arg19 : memref<!tpu.dma_semaphore, #tpu.memory_space<semaphore_mem>>)
    %dma_start3A_295 = arith.constant 0 : i32
    %dma_start3A_296 = tpu.memref_slice %arg17[%dma_start3A_295] : memref<16384xf32, #tpu.memory_space<vmem_shared>> -> memref<4096xf32, #tpu.memory_space<vmem_shared>>
    %dma_start3A_297 = arith.constant 0 : i32
    %dma_start3A_298 = tpu.memref_slice %arg17[%dma_start3A_297] : memref<16384xf32, #tpu.memory_space<vmem_shared>> -> memref<4096xf32, #tpu.memory_space<vmem_shared>>
    tpu.enqueue_dma source(%dma_start3A_298 : memref<4096xf32, #tpu.memory_space<vmem_shared>>) target(%arg11 : memref<4096xf32, #tpu.memory_space<vmem>>) target_semaphore(%arg18 : memref<!tpu.dma_semaphore, #tpu.memory_space<semaphore_mem>>)
    %dma_wait3A_299 = arith.constant 0 : i32
    %dma_wait3A_300 = tpu.memref_slice %arg3[%add3A_3, %dma_wait3A_299] : memref<32x16384xf32, #tpu.memory_space<hbm>> -> memref<1x4096xf32, #tpu.memory_space<hbm>>
    %dma_wait3A_301 = tpu.memref_squeeze %dma_wait3A_300 : memref<1x4096xf32, #tpu.memory_space<hbm>> -> memref<4096xf32, #tpu.memory_space<hbm>>
    %dma_wait3A_302 = arith.constant 0 : i32
    %dma_wait3A_303 = tpu.memref_slice %arg3[%add3A_3, %dma_wait3A_302] : memref<32x16384xf32, #tpu.memory_space<hbm>> -> memref<1x4096xf32, #tpu.memory_space<hbm>>
    %dma_wait3A_304 = tpu.memref_squeeze %dma_wait3A_303 : memref<1x4096xf32, #tpu.memory_space<hbm>> -> memref<4096xf32, #tpu.memory_space<hbm>>
    tpu.wait_dma2 semaphore(%arg21 : memref<!tpu.dma_semaphore, #tpu.memory_space<semaphore_mem>>) src(%dma_wait3A_304 : memref<4096xf32, #tpu.memory_space<hbm>>) dst(%arg9 : memref<4096xf32, #tpu.memory_space<vmem>>)
    %dma_wait3A_305 = arith.constant 0 : i32
    %dma_wait3A_306 = arith.constant 0 : i32
    %dma_wait3A_307 = tpu.memref_slice %arg2[%dma_wait3A_305, %dma_wait3A_306] : memref<128x128xi32, #tpu.memory_space<hbm>> -> memref<32x128xi32, #tpu.memory_space<hbm>>
    %dma_wait3A_308 = arith.constant 0 : i32
    %dma_wait3A_309 = arith.constant 0 : i32
    %dma_wait3A_310 = tpu.memref_slice %arg2[%dma_wait3A_308, %dma_wait3A_309] : memref<128x128xi32, #tpu.memory_space<hbm>> -> memref<32x128xi32, #tpu.memory_space<hbm>>
    tpu.wait_dma2 semaphore(%arg19 : memref<!tpu.dma_semaphore, #tpu.memory_space<semaphore_mem>>) src(%dma_wait3A_310 : memref<32x128xi32, #tpu.memory_space<hbm>>) dst(%arg10 : memref<32x128xi32, #tpu.memory_space<vmem>>)
    %dma_wait3A_311 = arith.constant 0 : i32
    %dma_wait3A_312 = tpu.memref_slice %arg17[%dma_wait3A_311] : memref<16384xf32, #tpu.memory_space<vmem_shared>> -> memref<4096xf32, #tpu.memory_space<vmem_shared>>
    %dma_wait3A_313 = arith.constant 0 : i32
    %dma_wait3A_314 = tpu.memref_slice %arg17[%dma_wait3A_313] : memref<16384xf32, #tpu.memory_space<vmem_shared>> -> memref<4096xf32, #tpu.memory_space<vmem_shared>>
    tpu.wait_dma2 semaphore(%arg18 : memref<!tpu.dma_semaphore, #tpu.memory_space<semaphore_mem>>) src(%dma_wait3A_314 : memref<4096xf32, #tpu.memory_space<vmem_shared>>) dst(%arg11 : memref<4096xf32, #tpu.memory_space<vmem>>)
    %scan3A = arith.constant 0 : i32
    %scan3A_315 = arith.constant 256 : i32
    %scan3A_316 = arith.addi %scan3A, %scan3A_315 : i32
    %scan3A_317 = arith.constant 1 : i32
    %scan3A_318 = scf.for %scan3A_438 = %scan3A to %scan3A_316 step %scan3A_317 iter_args(%scan3A_439 = %broadcast_in_dim3A_4) -> (vector<16xf32>)  : i32 {
      %shift_right_arithmetic3A = arith.constant 3 : i32
      %shift_right_arithmetic3A_440 = arith.shrsi %scan3A_438, %shift_right_arithmetic3A : i32
      %and3A = arith.constant 7 : i32
      %and3A_441 = arith.andi %scan3A_438, %and3A : i32
      %mul3A_442 = arith.constant 16 : i32
      %mul3A_443 = arith.muli %and3A_441, %mul3A_442 : i32
      %get3A = arith.index_cast %shift_right_arithmetic3A_440 : i32 to index
      %get3A_444 = arith.index_cast %mul3A_443 : i32 to index
      %get3A_445 = tpu.vector_load %arg10[%get3A, %get3A_444] {strides = array<i32>} : memref<32x128xi32, #tpu.memory_space<vmem>>, vector<16xi32>,
      %gather3A = tpu.vector_load_idx %arg8[%get3A_445] : memref<100000xf32, #tpu.memory_space<vmem>>[vector<16xi32>], vector<16xf32>,
      %mul3A_446 = arith.constant 16 : i32
      %mul3A_447 = arith.muli %scan3A_438, %mul3A_446 : i32
      %get3A_448 = arith.index_cast %mul3A_447 : i32 to index
      %get3A_449 = tpu.vector_load %arg9[%get3A_448] {strides = array<i32>} : memref<4096xf32, #tpu.memory_space<vmem>>, vector<16xf32>,
      %mul3A_450 = arith.constant 16 : i32
      %mul3A_451 = arith.muli %scan3A_438, %mul3A_450 : i32
      %get3A_452 = arith.index_cast %mul3A_451 : i32 to index
      %get3A_453 = tpu.vector_load %arg11[%get3A_452] {strides = array<i32>} : memref<4096xf32, #tpu.memory_space<vmem>>, vector<16xf32>,
      %add3A_454 = arith.constant 1.000000e+00 : f32
      %add3A_455 = vector.broadcast %add3A_454 : f32 to vector<16xf32>
      %add3A_456 = arith.addf %get3A_453, %add3A_455 : vector<16xf32>
      %div3A = arith.constant 5.000000e-01 : f32
      %div3A_457 = vector.broadcast %div3A : f32 to vector<16xf32>
      %div3A_458 = arith.divf %div3A_457, %add3A_456 : vector<16xf32>
      %sub3A = arith.subf %get3A_449, %gather3A : vector<16xf32>
      %mul3A_459 = arith.mulf %div3A_458, %sub3A : vector<16xf32>
      %mul3A_460 = arith.mulf %mul3A_459, %sub3A : vector<16xf32>
      %add3A_461 = arith.addf %scan3A_439, %mul3A_460 : vector<16xf32>
      scf.yield %add3A_461 : vector<16xf32>
    }
    %scan3A_319 = arith.constant 256 : i32
    %dma_start3A_320 = arith.constant 4096 : i32
    %dma_start3A_321 = tpu.memref_slice %arg3[%add3A_3, %dma_start3A_320] : memref<32x16384xf32, #tpu.memory_space<hbm>> -> memref<1x4096xf32, #tpu.memory_space<hbm>>
    %dma_start3A_322 = tpu.memref_squeeze %dma_start3A_321 : memref<1x4096xf32, #tpu.memory_space<hbm>> -> memref<4096xf32, #tpu.memory_space<hbm>>
    %dma_start3A_323 = arith.constant 4096 : i32
    %dma_start3A_324 = tpu.memref_slice %arg3[%add3A_3, %dma_start3A_323] : memref<32x16384xf32, #tpu.memory_space<hbm>> -> memref<1x4096xf32, #tpu.memory_space<hbm>>
    %dma_start3A_325 = tpu.memref_squeeze %dma_start3A_324 : memref<1x4096xf32, #tpu.memory_space<hbm>> -> memref<4096xf32, #tpu.memory_space<hbm>>
    tpu.enqueue_dma source(%dma_start3A_325 : memref<4096xf32, #tpu.memory_space<hbm>>) target(%arg9 : memref<4096xf32, #tpu.memory_space<vmem>>) target_semaphore(%arg21 : memref<!tpu.dma_semaphore, #tpu.memory_space<semaphore_mem>>)
    %dma_start3A_326 = arith.constant 32 : i32
    %dma_start3A_327 = arith.constant 0 : i32
    %dma_start3A_328 = tpu.memref_slice %arg2[%dma_start3A_326, %dma_start3A_327] : memref<128x128xi32, #tpu.memory_space<hbm>> -> memref<32x128xi32, #tpu.memory_space<hbm>>
    %dma_start3A_329 = arith.constant 32 : i32
    %dma_start3A_330 = arith.constant 0 : i32
    %dma_start3A_331 = tpu.memref_slice %arg2[%dma_start3A_329, %dma_start3A_330] : memref<128x128xi32, #tpu.memory_space<hbm>> -> memref<32x128xi32, #tpu.memory_space<hbm>>
    tpu.enqueue_dma source(%dma_start3A_331 : memref<32x128xi32, #tpu.memory_space<hbm>>) target(%arg10 : memref<32x128xi32, #tpu.memory_space<vmem>>) target_semaphore(%arg19 : memref<!tpu.dma_semaphore, #tpu.memory_space<semaphore_mem>>)
    %dma_start3A_332 = arith.constant 4096 : i32
    %dma_start3A_333 = tpu.memref_slice %arg17[%dma_start3A_332] : memref<16384xf32, #tpu.memory_space<vmem_shared>> -> memref<4096xf32, #tpu.memory_space<vmem_shared>>
    %dma_start3A_334 = arith.constant 4096 : i32
    %dma_start3A_335 = tpu.memref_slice %arg17[%dma_start3A_334] : memref<16384xf32, #tpu.memory_space<vmem_shared>> -> memref<4096xf32, #tpu.memory_space<vmem_shared>>
    tpu.enqueue_dma source(%dma_start3A_335 : memref<4096xf32, #tpu.memory_space<vmem_shared>>) target(%arg11 : memref<4096xf32, #tpu.memory_space<vmem>>) target_semaphore(%arg18 : memref<!tpu.dma_semaphore, #tpu.memory_space<semaphore_mem>>)
    %dma_wait3A_336 = arith.constant 4096 : i32
    %dma_wait3A_337 = tpu.memref_slice %arg3[%add3A_3, %dma_wait3A_336] : memref<32x16384xf32, #tpu.memory_space<hbm>> -> memref<1x4096xf32, #tpu.memory_space<hbm>>
    %dma_wait3A_338 = tpu.memref_squeeze %dma_wait3A_337 : memref<1x4096xf32, #tpu.memory_space<hbm>> -> memref<4096xf32, #tpu.memory_space<hbm>>
    %dma_wait3A_339 = arith.constant 4096 : i32
    %dma_wait3A_340 = tpu.memref_slice %arg3[%add3A_3, %dma_wait3A_339] : memref<32x16384xf32, #tpu.memory_space<hbm>> -> memref<1x4096xf32, #tpu.memory_space<hbm>>
    %dma_wait3A_341 = tpu.memref_squeeze %dma_wait3A_340 : memref<1x4096xf32, #tpu.memory_space<hbm>> -> memref<4096xf32, #tpu.memory_space<hbm>>
    tpu.wait_dma2 semaphore(%arg21 : memref<!tpu.dma_semaphore, #tpu.memory_space<semaphore_mem>>) src(%dma_wait3A_341 : memref<4096xf32, #tpu.memory_space<hbm>>) dst(%arg9 : memref<4096xf32, #tpu.memory_space<vmem>>)
    %dma_wait3A_342 = arith.constant 32 : i32
    %dma_wait3A_343 = arith.constant 0 : i32
    %dma_wait3A_344 = tpu.memref_slice %arg2[%dma_wait3A_342, %dma_wait3A_343] : memref<128x128xi32, #tpu.memory_space<hbm>> -> memref<32x128xi32, #tpu.memory_space<hbm>>
    %dma_wait3A_345 = arith.constant 32 : i32
    %dma_wait3A_346 = arith.constant 0 : i32
    %dma_wait3A_347 = tpu.memref_slice %arg2[%dma_wait3A_345, %dma_wait3A_346] : memref<128x128xi32, #tpu.memory_space<hbm>> -> memref<32x128xi32, #tpu.memory_space<hbm>>
    tpu.wait_dma2 semaphore(%arg19 : memref<!tpu.dma_semaphore, #tpu.memory_space<semaphore_mem>>) src(%dma_wait3A_347 : memref<32x128xi32, #tpu.memory_space<hbm>>) dst(%arg10 : memref<32x128xi32, #tpu.memory_space<vmem>>)
    %dma_wait3A_348 = arith.constant 4096 : i32
    %dma_wait3A_349 = tpu.memref_slice %arg17[%dma_wait3A_348] : memref<16384xf32, #tpu.memory_space<vmem_shared>> -> memref<4096xf32, #tpu.memory_space<vmem_shared>>
    %dma_wait3A_350 = arith.constant 4096 : i32
    %dma_wait3A_351 = tpu.memref_slice %arg17[%dma_wait3A_350] : memref<16384xf32, #tpu.memory_space<vmem_shared>> -> memref<4096xf32, #tpu.memory_space<vmem_shared>>
    tpu.wait_dma2 semaphore(%arg18 : memref<!tpu.dma_semaphore, #tpu.memory_space<semaphore_mem>>) src(%dma_wait3A_351 : memref<4096xf32, #tpu.memory_space<vmem_shared>>) dst(%arg11 : memref<4096xf32, #tpu.memory_space<vmem>>)
    %scan3A_352 = arith.constant 0 : i32
    %scan3A_353 = arith.constant 256 : i32
    %scan3A_354 = arith.addi %scan3A_352, %scan3A_353 : i32
    %scan3A_355 = arith.constant 1 : i32
    %scan3A_356 = scf.for %scan3A_438 = %scan3A_352 to %scan3A_354 step %scan3A_355 iter_args(%scan3A_439 = %scan3A_318) -> (vector<16xf32>)  : i32 {
      %shift_right_arithmetic3A = arith.constant 3 : i32
      %shift_right_arithmetic3A_440 = arith.shrsi %scan3A_438, %shift_right_arithmetic3A : i32
      %and3A = arith.constant 7 : i32
      %and3A_441 = arith.andi %scan3A_438, %and3A : i32
      %mul3A_442 = arith.constant 16 : i32
      %mul3A_443 = arith.muli %and3A_441, %mul3A_442 : i32
      %get3A = arith.index_cast %shift_right_arithmetic3A_440 : i32 to index
      %get3A_444 = arith.index_cast %mul3A_443 : i32 to index
      %get3A_445 = tpu.vector_load %arg10[%get3A, %get3A_444] {strides = array<i32>} : memref<32x128xi32, #tpu.memory_space<vmem>>, vector<16xi32>,
      %gather3A = tpu.vector_load_idx %arg8[%get3A_445] : memref<100000xf32, #tpu.memory_space<vmem>>[vector<16xi32>], vector<16xf32>,
      %mul3A_446 = arith.constant 16 : i32
      %mul3A_447 = arith.muli %scan3A_438, %mul3A_446 : i32
      %get3A_448 = arith.index_cast %mul3A_447 : i32 to index
      %get3A_449 = tpu.vector_load %arg9[%get3A_448] {strides = array<i32>} : memref<4096xf32, #tpu.memory_space<vmem>>, vector<16xf32>,
      %mul3A_450 = arith.constant 16 : i32
      %mul3A_451 = arith.muli %scan3A_438, %mul3A_450 : i32
      %get3A_452 = arith.index_cast %mul3A_451 : i32 to index
      %get3A_453 = tpu.vector_load %arg11[%get3A_452] {strides = array<i32>} : memref<4096xf32, #tpu.memory_space<vmem>>, vector<16xf32>,
      %add3A_454 = arith.constant 1.000000e+00 : f32
      %add3A_455 = vector.broadcast %add3A_454 : f32 to vector<16xf32>
      %add3A_456 = arith.addf %get3A_453, %add3A_455 : vector<16xf32>
      %div3A = arith.constant 5.000000e-01 : f32
      %div3A_457 = vector.broadcast %div3A : f32 to vector<16xf32>
      %div3A_458 = arith.divf %div3A_457, %add3A_456 : vector<16xf32>
      %sub3A = arith.subf %get3A_449, %gather3A : vector<16xf32>
      %mul3A_459 = arith.mulf %div3A_458, %sub3A : vector<16xf32>
      %mul3A_460 = arith.mulf %mul3A_459, %sub3A : vector<16xf32>
      %add3A_461 = arith.addf %scan3A_439, %mul3A_460 : vector<16xf32>
      scf.yield %add3A_461 : vector<16xf32>
    }
    %scan3A_357 = arith.constant 256 : i32
    %dma_start3A_358 = arith.constant 8192 : i32
    %dma_start3A_359 = tpu.memref_slice %arg3[%add3A_3, %dma_start3A_358] : memref<32x16384xf32, #tpu.memory_space<hbm>> -> memref<1x4096xf32, #tpu.memory_space<hbm>>
    %dma_start3A_360 = tpu.memref_squeeze %dma_start3A_359 : memref<1x4096xf32, #tpu.memory_space<hbm>> -> memref<4096xf32, #tpu.memory_space<hbm>>
    %dma_start3A_361 = arith.constant 8192 : i32
    %dma_start3A_362 = tpu.memref_slice %arg3[%add3A_3, %dma_start3A_361] : memref<32x16384xf32, #tpu.memory_space<hbm>> -> memref<1x4096xf32, #tpu.memory_space<hbm>>
    %dma_start3A_363 = tpu.memref_squeeze %dma_start3A_362 : memref<1x4096xf32, #tpu.memory_space<hbm>> -> memref<4096xf32, #tpu.memory_space<hbm>>
    tpu.enqueue_dma source(%dma_start3A_363 : memref<4096xf32, #tpu.memory_space<hbm>>) target(%arg9 : memref<4096xf32, #tpu.memory_space<vmem>>) target_semaphore(%arg21 : memref<!tpu.dma_semaphore, #tpu.memory_space<semaphore_mem>>)
    %dma_start3A_364 = arith.constant 64 : i32
    %dma_start3A_365 = arith.constant 0 : i32
    %dma_start3A_366 = tpu.memref_slice %arg2[%dma_start3A_364, %dma_start3A_365] : memref<128x128xi32, #tpu.memory_space<hbm>> -> memref<32x128xi32, #tpu.memory_space<hbm>>
    %dma_start3A_367 = arith.constant 64 : i32
    %dma_start3A_368 = arith.constant 0 : i32
    %dma_start3A_369 = tpu.memref_slice %arg2[%dma_start3A_367, %dma_start3A_368] : memref<128x128xi32, #tpu.memory_space<hbm>> -> memref<32x128xi32, #tpu.memory_space<hbm>>
    tpu.enqueue_dma source(%dma_start3A_369 : memref<32x128xi32, #tpu.memory_space<hbm>>) target(%arg10 : memref<32x128xi32, #tpu.memory_space<vmem>>) target_semaphore(%arg19 : memref<!tpu.dma_semaphore, #tpu.memory_space<semaphore_mem>>)
    %dma_start3A_370 = arith.constant 8192 : i32
    %dma_start3A_371 = tpu.memref_slice %arg17[%dma_start3A_370] : memref<16384xf32, #tpu.memory_space<vmem_shared>> -> memref<4096xf32, #tpu.memory_space<vmem_shared>>
    %dma_start3A_372 = arith.constant 8192 : i32
    %dma_start3A_373 = tpu.memref_slice %arg17[%dma_start3A_372] : memref<16384xf32, #tpu.memory_space<vmem_shared>> -> memref<4096xf32, #tpu.memory_space<vmem_shared>>
    tpu.enqueue_dma source(%dma_start3A_373 : memref<4096xf32, #tpu.memory_space<vmem_shared>>) target(%arg11 : memref<4096xf32, #tpu.memory_space<vmem>>) target_semaphore(%arg18 : memref<!tpu.dma_semaphore, #tpu.memory_space<semaphore_mem>>)
    %dma_wait3A_374 = arith.constant 8192 : i32
    %dma_wait3A_375 = tpu.memref_slice %arg3[%add3A_3, %dma_wait3A_374] : memref<32x16384xf32, #tpu.memory_space<hbm>> -> memref<1x4096xf32, #tpu.memory_space<hbm>>
    %dma_wait3A_376 = tpu.memref_squeeze %dma_wait3A_375 : memref<1x4096xf32, #tpu.memory_space<hbm>> -> memref<4096xf32, #tpu.memory_space<hbm>>
    %dma_wait3A_377 = arith.constant 8192 : i32
    %dma_wait3A_378 = tpu.memref_slice %arg3[%add3A_3, %dma_wait3A_377] : memref<32x16384xf32, #tpu.memory_space<hbm>> -> memref<1x4096xf32, #tpu.memory_space<hbm>>
    %dma_wait3A_379 = tpu.memref_squeeze %dma_wait3A_378 : memref<1x4096xf32, #tpu.memory_space<hbm>> -> memref<4096xf32, #tpu.memory_space<hbm>>
    tpu.wait_dma2 semaphore(%arg21 : memref<!tpu.dma_semaphore, #tpu.memory_space<semaphore_mem>>) src(%dma_wait3A_379 : memref<4096xf32, #tpu.memory_space<hbm>>) dst(%arg9 : memref<4096xf32, #tpu.memory_space<vmem>>)
    %dma_wait3A_380 = arith.constant 64 : i32
    %dma_wait3A_381 = arith.constant 0 : i32
    %dma_wait3A_382 = tpu.memref_slice %arg2[%dma_wait3A_380, %dma_wait3A_381] : memref<128x128xi32, #tpu.memory_space<hbm>> -> memref<32x128xi32, #tpu.memory_space<hbm>>
    %dma_wait3A_383 = arith.constant 64 : i32
    %dma_wait3A_384 = arith.constant 0 : i32
    %dma_wait3A_385 = tpu.memref_slice %arg2[%dma_wait3A_383, %dma_wait3A_384] : memref<128x128xi32, #tpu.memory_space<hbm>> -> memref<32x128xi32, #tpu.memory_space<hbm>>
    tpu.wait_dma2 semaphore(%arg19 : memref<!tpu.dma_semaphore, #tpu.memory_space<semaphore_mem>>) src(%dma_wait3A_385 : memref<32x128xi32, #tpu.memory_space<hbm>>) dst(%arg10 : memref<32x128xi32, #tpu.memory_space<vmem>>)
    %dma_wait3A_386 = arith.constant 8192 : i32
    %dma_wait3A_387 = tpu.memref_slice %arg17[%dma_wait3A_386] : memref<16384xf32, #tpu.memory_space<vmem_shared>> -> memref<4096xf32, #tpu.memory_space<vmem_shared>>
    %dma_wait3A_388 = arith.constant 8192 : i32
    %dma_wait3A_389 = tpu.memref_slice %arg17[%dma_wait3A_388] : memref<16384xf32, #tpu.memory_space<vmem_shared>> -> memref<4096xf32, #tpu.memory_space<vmem_shared>>
    tpu.wait_dma2 semaphore(%arg18 : memref<!tpu.dma_semaphore, #tpu.memory_space<semaphore_mem>>) src(%dma_wait3A_389 : memref<4096xf32, #tpu.memory_space<vmem_shared>>) dst(%arg11 : memref<4096xf32, #tpu.memory_space<vmem>>)
    %scan3A_390 = arith.constant 0 : i32
    %scan3A_391 = arith.constant 256 : i32
    %scan3A_392 = arith.addi %scan3A_390, %scan3A_391 : i32
    %scan3A_393 = arith.constant 1 : i32
    %scan3A_394 = scf.for %scan3A_438 = %scan3A_390 to %scan3A_392 step %scan3A_393 iter_args(%scan3A_439 = %scan3A_356) -> (vector<16xf32>)  : i32 {
      %shift_right_arithmetic3A = arith.constant 3 : i32
      %shift_right_arithmetic3A_440 = arith.shrsi %scan3A_438, %shift_right_arithmetic3A : i32
      %and3A = arith.constant 7 : i32
      %and3A_441 = arith.andi %scan3A_438, %and3A : i32
      %mul3A_442 = arith.constant 16 : i32
      %mul3A_443 = arith.muli %and3A_441, %mul3A_442 : i32
      %get3A = arith.index_cast %shift_right_arithmetic3A_440 : i32 to index
      %get3A_444 = arith.index_cast %mul3A_443 : i32 to index
      %get3A_445 = tpu.vector_load %arg10[%get3A, %get3A_444] {strides = array<i32>} : memref<32x128xi32, #tpu.memory_space<vmem>>, vector<16xi32>,
      %gather3A = tpu.vector_load_idx %arg8[%get3A_445] : memref<100000xf32, #tpu.memory_space<vmem>>[vector<16xi32>], vector<16xf32>,
      %mul3A_446 = arith.constant 16 : i32
      %mul3A_447 = arith.muli %scan3A_438, %mul3A_446 : i32
      %get3A_448 = arith.index_cast %mul3A_447 : i32 to index
      %get3A_449 = tpu.vector_load %arg9[%get3A_448] {strides = array<i32>} : memref<4096xf32, #tpu.memory_space<vmem>>, vector<16xf32>,
      %mul3A_450 = arith.constant 16 : i32
      %mul3A_451 = arith.muli %scan3A_438, %mul3A_450 : i32
      %get3A_452 = arith.index_cast %mul3A_451 : i32 to index
      %get3A_453 = tpu.vector_load %arg11[%get3A_452] {strides = array<i32>} : memref<4096xf32, #tpu.memory_space<vmem>>, vector<16xf32>,
      %add3A_454 = arith.constant 1.000000e+00 : f32
      %add3A_455 = vector.broadcast %add3A_454 : f32 to vector<16xf32>
      %add3A_456 = arith.addf %get3A_453, %add3A_455 : vector<16xf32>
      %div3A = arith.constant 5.000000e-01 : f32
      %div3A_457 = vector.broadcast %div3A : f32 to vector<16xf32>
      %div3A_458 = arith.divf %div3A_457, %add3A_456 : vector<16xf32>
      %sub3A = arith.subf %get3A_449, %gather3A : vector<16xf32>
      %mul3A_459 = arith.mulf %div3A_458, %sub3A : vector<16xf32>
      %mul3A_460 = arith.mulf %mul3A_459, %sub3A : vector<16xf32>
      %add3A_461 = arith.addf %scan3A_439, %mul3A_460 : vector<16xf32>
      scf.yield %add3A_461 : vector<16xf32>
    }
    %scan3A_395 = arith.constant 256 : i32
    %dma_start3A_396 = arith.constant 12288 : i32
    %dma_start3A_397 = tpu.memref_slice %arg3[%add3A_3, %dma_start3A_396] : memref<32x16384xf32, #tpu.memory_space<hbm>> -> memref<1x4096xf32, #tpu.memory_space<hbm>>
    %dma_start3A_398 = tpu.memref_squeeze %dma_start3A_397 : memref<1x4096xf32, #tpu.memory_space<hbm>> -> memref<4096xf32, #tpu.memory_space<hbm>>
    %dma_start3A_399 = arith.constant 12288 : i32
    %dma_start3A_400 = tpu.memref_slice %arg3[%add3A_3, %dma_start3A_399] : memref<32x16384xf32, #tpu.memory_space<hbm>> -> memref<1x4096xf32, #tpu.memory_space<hbm>>
    %dma_start3A_401 = tpu.memref_squeeze %dma_start3A_400 : memref<1x4096xf32, #tpu.memory_space<hbm>> -> memref<4096xf32, #tpu.memory_space<hbm>>
    tpu.enqueue_dma source(%dma_start3A_401 : memref<4096xf32, #tpu.memory_space<hbm>>) target(%arg9 : memref<4096xf32, #tpu.memory_space<vmem>>) target_semaphore(%arg21 : memref<!tpu.dma_semaphore, #tpu.memory_space<semaphore_mem>>)
    %dma_start3A_402 = arith.constant 96 : i32
    %dma_start3A_403 = arith.constant 0 : i32
    %dma_start3A_404 = tpu.memref_slice %arg2[%dma_start3A_402, %dma_start3A_403] : memref<128x128xi32, #tpu.memory_space<hbm>> -> memref<32x128xi32, #tpu.memory_space<hbm>>
    %dma_start3A_405 = arith.constant 96 : i32
    %dma_start3A_406 = arith.constant 0 : i32
    %dma_start3A_407 = tpu.memref_slice %arg2[%dma_start3A_405, %dma_start3A_406] : memref<128x128xi32, #tpu.memory_space<hbm>> -> memref<32x128xi32, #tpu.memory_space<hbm>>
    tpu.enqueue_dma source(%dma_start3A_407 : memref<32x128xi32, #tpu.memory_space<hbm>>) target(%arg10 : memref<32x128xi32, #tpu.memory_space<vmem>>) target_semaphore(%arg19 : memref<!tpu.dma_semaphore, #tpu.memory_space<semaphore_mem>>)
    %dma_start3A_408 = arith.constant 12288 : i32
    %dma_start3A_409 = tpu.memref_slice %arg17[%dma_start3A_408] : memref<16384xf32, #tpu.memory_space<vmem_shared>> -> memref<4096xf32, #tpu.memory_space<vmem_shared>>
    %dma_start3A_410 = arith.constant 12288 : i32
    %dma_start3A_411 = tpu.memref_slice %arg17[%dma_start3A_410] : memref<16384xf32, #tpu.memory_space<vmem_shared>> -> memref<4096xf32, #tpu.memory_space<vmem_shared>>
    tpu.enqueue_dma source(%dma_start3A_411 : memref<4096xf32, #tpu.memory_space<vmem_shared>>) target(%arg11 : memref<4096xf32, #tpu.memory_space<vmem>>) target_semaphore(%arg18 : memref<!tpu.dma_semaphore, #tpu.memory_space<semaphore_mem>>)
    %dma_wait3A_412 = arith.constant 12288 : i32
    %dma_wait3A_413 = tpu.memref_slice %arg3[%add3A_3, %dma_wait3A_412] : memref<32x16384xf32, #tpu.memory_space<hbm>> -> memref<1x4096xf32, #tpu.memory_space<hbm>>
    %dma_wait3A_414 = tpu.memref_squeeze %dma_wait3A_413 : memref<1x4096xf32, #tpu.memory_space<hbm>> -> memref<4096xf32, #tpu.memory_space<hbm>>
    %dma_wait3A_415 = arith.constant 12288 : i32
    %dma_wait3A_416 = tpu.memref_slice %arg3[%add3A_3, %dma_wait3A_415] : memref<32x16384xf32, #tpu.memory_space<hbm>> -> memref<1x4096xf32, #tpu.memory_space<hbm>>
    %dma_wait3A_417 = tpu.memref_squeeze %dma_wait3A_416 : memref<1x4096xf32, #tpu.memory_space<hbm>> -> memref<4096xf32, #tpu.memory_space<hbm>>
    tpu.wait_dma2 semaphore(%arg21 : memref<!tpu.dma_semaphore, #tpu.memory_space<semaphore_mem>>) src(%dma_wait3A_417 : memref<4096xf32, #tpu.memory_space<hbm>>) dst(%arg9 : memref<4096xf32, #tpu.memory_space<vmem>>)
    %dma_wait3A_418 = arith.constant 96 : i32
    %dma_wait3A_419 = arith.constant 0 : i32
    %dma_wait3A_420 = tpu.memref_slice %arg2[%dma_wait3A_418, %dma_wait3A_419] : memref<128x128xi32, #tpu.memory_space<hbm>> -> memref<32x128xi32, #tpu.memory_space<hbm>>
    %dma_wait3A_421 = arith.constant 96 : i32
    %dma_wait3A_422 = arith.constant 0 : i32
    %dma_wait3A_423 = tpu.memref_slice %arg2[%dma_wait3A_421, %dma_wait3A_422] : memref<128x128xi32, #tpu.memory_space<hbm>> -> memref<32x128xi32, #tpu.memory_space<hbm>>
    tpu.wait_dma2 semaphore(%arg19 : memref<!tpu.dma_semaphore, #tpu.memory_space<semaphore_mem>>) src(%dma_wait3A_423 : memref<32x128xi32, #tpu.memory_space<hbm>>) dst(%arg10 : memref<32x128xi32, #tpu.memory_space<vmem>>)
    %dma_wait3A_424 = arith.constant 12288 : i32
    %dma_wait3A_425 = tpu.memref_slice %arg17[%dma_wait3A_424] : memref<16384xf32, #tpu.memory_space<vmem_shared>> -> memref<4096xf32, #tpu.memory_space<vmem_shared>>
    %dma_wait3A_426 = arith.constant 12288 : i32
    %dma_wait3A_427 = tpu.memref_slice %arg17[%dma_wait3A_426] : memref<16384xf32, #tpu.memory_space<vmem_shared>> -> memref<4096xf32, #tpu.memory_space<vmem_shared>>
    tpu.wait_dma2 semaphore(%arg18 : memref<!tpu.dma_semaphore, #tpu.memory_space<semaphore_mem>>) src(%dma_wait3A_427 : memref<4096xf32, #tpu.memory_space<vmem_shared>>) dst(%arg11 : memref<4096xf32, #tpu.memory_space<vmem>>)
    %scan3A_428 = arith.constant 0 : i32
    %scan3A_429 = arith.constant 256 : i32
    %scan3A_430 = arith.addi %scan3A_428, %scan3A_429 : i32
    %scan3A_431 = arith.constant 1 : i32
    %scan3A_432 = scf.for %scan3A_438 = %scan3A_428 to %scan3A_430 step %scan3A_431 iter_args(%scan3A_439 = %scan3A_394) -> (vector<16xf32>)  : i32 {
      %shift_right_arithmetic3A = arith.constant 3 : i32
      %shift_right_arithmetic3A_440 = arith.shrsi %scan3A_438, %shift_right_arithmetic3A : i32
      %and3A = arith.constant 7 : i32
      %and3A_441 = arith.andi %scan3A_438, %and3A : i32
      %mul3A_442 = arith.constant 16 : i32
      %mul3A_443 = arith.muli %and3A_441, %mul3A_442 : i32
      %get3A = arith.index_cast %shift_right_arithmetic3A_440 : i32 to index
      %get3A_444 = arith.index_cast %mul3A_443 : i32 to index
      %get3A_445 = tpu.vector_load %arg10[%get3A, %get3A_444] {strides = array<i32>} : memref<32x128xi32, #tpu.memory_space<vmem>>, vector<16xi32>,
      %gather3A = tpu.vector_load_idx %arg8[%get3A_445] : memref<100000xf32, #tpu.memory_space<vmem>>[vector<16xi32>], vector<16xf32>,
      %mul3A_446 = arith.constant 16 : i32
      %mul3A_447 = arith.muli %scan3A_438, %mul3A_446 : i32
      %get3A_448 = arith.index_cast %mul3A_447 : i32 to index
      %get3A_449 = tpu.vector_load %arg9[%get3A_448] {strides = array<i32>} : memref<4096xf32, #tpu.memory_space<vmem>>, vector<16xf32>,
      %mul3A_450 = arith.constant 16 : i32
      %mul3A_451 = arith.muli %scan3A_438, %mul3A_450 : i32
      %get3A_452 = arith.index_cast %mul3A_451 : i32 to index
      %get3A_453 = tpu.vector_load %arg11[%get3A_452] {strides = array<i32>} : memref<4096xf32, #tpu.memory_space<vmem>>, vector<16xf32>,
      %add3A_454 = arith.constant 1.000000e+00 : f32
      %add3A_455 = vector.broadcast %add3A_454 : f32 to vector<16xf32>
      %add3A_456 = arith.addf %get3A_453, %add3A_455 : vector<16xf32>
      %div3A = arith.constant 5.000000e-01 : f32
      %div3A_457 = vector.broadcast %div3A : f32 to vector<16xf32>
      %div3A_458 = arith.divf %div3A_457, %add3A_456 : vector<16xf32>
      %sub3A = arith.subf %get3A_449, %gather3A : vector<16xf32>
      %mul3A_459 = arith.mulf %div3A_458, %sub3A : vector<16xf32>
      %mul3A_460 = arith.mulf %mul3A_459, %sub3A : vector<16xf32>
      %add3A_461 = arith.addf %scan3A_439, %mul3A_460 : vector<16xf32>
      scf.yield %add3A_461 : vector<16xf32>
    }
    %scan3A_433 = arith.constant 256 : i32
    %swap3A = arith.constant 0 : index
    %swap3A_434 = tpu.vector_load %arg15[%swap3A] {strides = array<i32>} : memref<16xf32, #tpu.memory_space<vmem>>, vector<16xf32>,
    tpu.vector_store %arg15[%swap3A], %scan3A_432 {strides = array<i32>} : memref<16xf32, #tpu.memory_space<vmem>>, vector<16xf32>,
    %barrier3A_435 = arith.constant 0 : index
    tpu.barrier barrier_id(%barrier3A_435)
    %mul3A_436 = arith.constant 16 : i32
    %mul3A_437 = arith.muli %add3A, %mul3A_436 : i32
    "tpu.region"() ({
      %run_scoped3A = tpu.sem_alloc : memref<!tpu.dma_semaphore, #tpu.memory_space<semaphore_mem>>
      %dma_start3A_438 = tpu.memref_slice %arg6[%mul3A_437] : memref<512xf32, #tpu.memory_space<hbm>> -> memref<16xf32, #tpu.memory_space<hbm>>
      %dma_start3A_439 = tpu.memref_slice %arg6[%mul3A_437] : memref<512xf32, #tpu.memory_space<hbm>> -> memref<16xf32, #tpu.memory_space<hbm>>
      tpu.enqueue_dma source(%arg15 : memref<16xf32, #tpu.memory_space<vmem>>) target(%dma_start3A_439 : memref<16xf32, #tpu.memory_space<hbm>>) target_semaphore(%run_scoped3A : memref<!tpu.dma_semaphore, #tpu.memory_space<semaphore_mem>>)
      %dma_wait3A_440 = tpu.memref_slice %arg6[%mul3A_437] : memref<512xf32, #tpu.memory_space<hbm>> -> memref<16xf32, #tpu.memory_space<hbm>>
      %dma_wait3A_441 = tpu.memref_slice %arg6[%mul3A_437] : memref<512xf32, #tpu.memory_space<hbm>> -> memref<16xf32, #tpu.memory_space<hbm>>
      tpu.wait_dma2 semaphore(%run_scoped3A : memref<!tpu.dma_semaphore, #tpu.memory_space<semaphore_mem>>) src(%arg15 : memref<16xf32, #tpu.memory_space<vmem>>) dst(%dma_wait3A_441 : memref<16xf32, #tpu.memory_space<hbm>>)
      tpu.yield
    }) : () -> ()
    return
  }
}

</mosaic_0001>

<sc_bundles>
// kernel: kernel.3.cloned.1.call-start
scs
__scs_entry_jumppad:
0x0: {  	(pc) =	sbr.rel $0x88, $3  }
0x1: {  	(tag) =	ssettag $0x0;
	lr =	simm.s32 $0x1  }
0x2: {  	[smem:$0x3F9E] =	sst lr;
	_ =	strace $0xD0000000  }
0x3: {  	_ = 	snop  }
0x4: {  	_ = 	snop  }
0x5: {  	_ = 	snop  }
0x6: {  	_ = 	snop  }
0x7: {  	_ = 	snop  }
__scs_overlays_trampoline_lowered:
0x8: {  	[smem:$0x3FAD] =	sst s0  }
0x9: {  	[smem:$0x3FAE] =	sst s1  }
0xa: {  	[smem:$0x3FAF] =	sst s2  }
0xb: {  	[smem:$0x3FB0] =	sst s3  }
0xc: {  	[smem:$0x3FB1] =	sst s4  }
0xd: {  	[smem:$0x3FB2] =	sst s5  }
0xe: {  	[smem:$0x3FB3] =	sst s6  }
0xf: {  	[smem:$0x3FB4] =	sst s7  }
0x10: {  	[smem:$0x3FB5] =	sst s8  }
0x11: {  	[smem:$0x3FB6] =	sst s9;
	s0 =	simm.s32 @!p0 $0x0  }
0x12: {  	s1 =	sld [smem:$0x3F9C];
	s0 =	simm.s32 @p0 $0x1  }
0x13: {  	[smem:$0x3FB7] =	sst s0;
	s0 =	simm.s32 @!p1 $0x0  }
0x14: {  	s2 =	sld [smem:$0x3F9B];
	s0 =	simm.s32 @p1 $0x1  }
0x15: {  	[smem:$0x3FB8] =	sst s0;
	s0 =	simm.s32 @!p2 $0x0  }
0x16: {  	s3 =	sld [smem:$0x3FDB];
	s0 =	simm.s32 @p2 $0x1  }
0x17: {  	s4 =	simm.s32 $0x1BF5;
	[smem:$0x3FBA] =	sst s0  }
0x18: {  	s0 =	sld [smem:$0x3F9D];
	_ =	swait.ge [sflag:s4], $0x0  }
0x19: {  	s7 =	sld [smem:$0x3F9E]  }
0x1a: {  	s8 =	sadd.s32 $0xFFFFE003, lr  }
0x1b: {  	s9 =	sadd.s32 $0xFFFFFEF7, lr;
	s5 =	simm.s32 $0xFFFFFFFF;
	p2 =	slt.u32 s8, $0xFFFFF086  }
0x1c: {  	p1 =	slt.u32 s9, $0xF7A;
	s5 =	simm.s32 @!p2 $0x0  }
0x1d: {  	s5 =	simm.s32 @p1 $0x1;
	p0 =	seq.s32 s7, s2  }
0x1e: {  	s7 =	smul.u32 @!p0 $0xF7A, s2;
	p2 =	seq.s32 @!p0 s5, $0x0  }
0x1f: {  	s9 =	smul.u32 $0xF7A, s1;
	s8 =	simm.s32 @!p0 $0x1BF5;
	p2 =	por !p2, p0  }
0x20: {  	[sflag:s8] =	ssyncset.s32 @!p0 $0xFFFFF086;
	s6 =	sadd.s32 @!p0 s3, s7;
	s7 =	simm.s32 @!p0 $0x108  }
0x21: {  	s3 =	sadd.s32 s3, s9;
	s6 =	sadd.s32 @!p0 $0x88, s6;
	s7 =	simm.s32 @p2 $0x1082  }
0x22: {  	[simem:s7], [sflag:s8] =	dma.local @!p0 [hbm:s6], $0xF7A  }
0x23: {  	s9 =	sor.u32 $0xD0000000, s2;
	s6 =	simm.s32 $0x108;
	_ =	swait.ge @!p0 [sflag:s8], $0x0  }
0x24: {  	s3 =	sadd.s32 $0x88, s3;
	s6 =	simm.s32 @!p1 $0x1082;
	[sflag:s4] =	ssyncset.s32 $0xFFFFF086  }
0x25: {  	[simem:s6], [sflag:s4] =	dma.local [hbm:s3], $0xF7A  }
0x26: {  	[smem:$0x3F9E] =	sst s1;
	(tag) =	ssettag s2;
	_ =	strace s9  }
0x27: {  	s1 =	sld [smem:$0x3FAE]  }
0x28: {  	s2 =	sld [smem:$0x3FAF]  }
0x29: {  	s4 =	sld [smem:$0x3FB1]  }
0x2a: {  	p0 =	seq.s32 s5, $0x0;
	s5 =	sld [smem:$0x3FB2]  }
0x2b: {  	s6 =	sld [smem:$0x3FB3]  }
0x2c: {  	s7 =	sld [smem:$0x3FB4]  }
0x2d: {  	s3 =	simm.s32 $0x108;
	s8 =	sld [smem:$0x3FB5]  }
0x2e: {  	s3 =	simm.s32 @!p0 $0x1082;
	s9 =	sld [smem:$0x3FB6]  }
0x2f: {  	lr =	sadd.s32 s0, s3;
	s0 =	sld [smem:$0x3FAD]  }
0x30: {  	s3 =	sld [smem:$0x3FB0]  }
0x31: {  	[smem:$0x3FB9] =	sst s10  }
0x32: {  	s10 =	sld [smem:$0x3FB7];
	_ =	sdelay $0x3  }
0x33: {  	p0 =	seq.s32 s10, $0x1;
	s10 =	sld [smem:$0x3FB9];
	_ =	sdelay $0x3  }
0x34: {  	[smem:$0x3FB9] =	sst s10  }
0x35: {  	s10 =	sld [smem:$0x3FB8];
	_ =	sdelay $0x3  }
0x36: {  	p1 =	seq.s32 s10, $0x1;
	s10 =	sld [smem:$0x3FB9];
	_ =	sdelay $0x3  }
0x37: {  	[smem:$0x3FB9] =	sst s10  }
0x38: {  	s10 =	sld [smem:$0x3FBA]  }
0x39: {  	_ = 	snop;
	(pc) =	sbr.ind lr, $3  }
0x3a: {  	_ = 	snop  }
0x3b: {  	_ = 	snop  }
0x3c: {  	p2 =	seq.s32 s10, $0x1;
	s10 =	sld [smem:$0x3FB9]  }
0x3d: {  	_ =	shalt  }
0x3e: {  	_ =	shalt  }
0x3f: {  	_ =	shalt  }
0x40: {  	_ =	shalt  }
0x41: {  	_ =	shalt  }
0x42: {  	_ =	shalt  }
0x43: {  	_ =	shalt  }
0x44: {  	_ =	shalt  }
0x45: {  	_ =	shalt  }
0x46: {  	_ =	shalt  }
0x47: {  	_ =	shalt  }
0x48: {  	_ =	shalt  }
0x49: {  	_ =	shalt  }
0x4a: {  	_ =	shalt  }
0x4b: {  	_ =	shalt  }
0x4c: {  	_ =	shalt  }
0x4d: {  	_ =	shalt  }
0x4e: {  	_ =	shalt  }
0x4f: {  	_ =	shalt  }
0x50: {  	_ =	shalt  }
0x51: {  	_ =	shalt  }
0x52: {  	_ =	shalt  }
0x53: {  	_ =	shalt  }
0x54: {  	_ =	shalt  }
0x55: {  	_ =	shalt  }
0x56: {  	_ =	shalt  }
0x57: {  	_ =	shalt  }
0x58: {  	_ =	shalt  }
0x59: {  	_ =	shalt  }
0x5a: {  	_ =	shalt  }
0x5b: {  	_ =	shalt  }
0x5c: {  	_ =	shalt  }
0x5d: {  	_ =	shalt  }
0x5e: {  	_ =	shalt  }
0x5f: {  	_ =	shalt  }
0x60: {  	_ =	shalt  }
0x61: {  	_ =	shalt  }
0x62: {  	_ =	shalt  }
0x63: {  	_ =	shalt  }
0x64: {  	_ =	shalt  }
0x65: {  	_ =	shalt  }
0x66: {  	_ =	shalt  }
0x67: {  	_ =	shalt  }
0x68: {  	_ =	shalt  }
0x69: {  	_ =	shalt  }
0x6a: {  	_ =	shalt  }
0x6b: {  	_ =	shalt  }
0x6c: {  	_ =	shalt  }
0x6d: {  	_ =	shalt  }
0x6e: {  	_ =	shalt  }
0x6f: {  	_ =	shalt  }
0x70: {  	_ =	shalt  }
0x71: {  	_ =	shalt  }
0x72: {  	_ =	shalt  }
0x73: {  	_ =	shalt  }
0x74: {  	_ =	shalt  }
0x75: {  	_ =	shalt  }
0x76: {  	_ =	shalt  }
0x77: {  	_ =	shalt  }
0x78: {  	_ =	shalt  }
0x79: {  	_ =	shalt  }
0x7a: {  	_ =	shalt  }
0x7b: {  	_ =	shalt  }
0x7c: {  	_ =	shalt  }
0x7d: {  	_ =	shalt  }
0x7e: {  	_ =	shalt  }
0x7f: {  	_ =	shalt  }
0x80: {  	_ =	shalt  }
0x81: {  	_ =	shalt  }
0x82: {  	_ =	shalt  }
0x83: {  	_ =	shalt  }
0x84: {  	_ =	shalt  }
0x85: {  	_ =	shalt  }
0x86: {  	_ =	shalt  }
0x87: {  	_ =	shalt  }
.Lfunc_end0:
.L_simem_size_0:
called_computation_lowered:
.L_overlay_start_0:
0x88: {  	s2 =	sld [smem:$0x3FD9]  }
0x89: {  	s3 =	sld [smem:$0x3FFE];
	_ =	sdelay $0x1  }
0x8a: {  	s1 =	srdreg.scid  }
0x8b: {  	s0 =	sand.u32 $0x1, s1  }
0x8c: {  	s17 =	sshll.u32 s0, $0xA;
	s2 =	sadd.s32 s3, s2  }
0x8d: {  	s2 =	sadd.s32 s2, s17  }
0x8e: {  	[smem:$0x3FC5] =	sst s2  }
0x8f: {  	_ = 	snop  }
0x90: {  	s2 =	sld [smem:$0x3FC9]  }
0x91: {  	s18 =	sld [smem:$0x3FC8]  }
0x92: {  	s4 =	sld [smem:$0x3FC7];
	(tm) =	ssettm $0x1  }
0x93: {  	s5 =	sld [smem:$0x3FFB];
	_ =	sdelay $0x3  }
0x94: {  	_ =	strace s5  }
0x95: {  	s5 =	sld [smem:$0x3FFC];
	_ =	sdelay $0x3  }
0x96: {  	_ =	strace s5  }
0x97: {  	s5 =	sld [smem:$0x3FFD];
	_ =	sdelay $0x3  }
0x98: {  	_ =	strace s5  }
0x99: {  	_ =	strace $0x8FFFFFFF  }
0x9a: {  	s19 =	sld [smem:$0x3FDB];
	_ =	sdelay $0x1  }
0x9b: {  	s6 =	simm.s32 $_scs_section_size  }
0x9c: {  	s7 =	simm.s32 $_size__tile_overlayer_lowered;
	s8 =	simm.s32 $_tile_overlayer_lowered  }
0x9d: {  	s22 =	simm.s32 $0x1BFF;
	s21 =	sshll.u32 s8, $0x1;
	s5 =	sadd.s32 s6, s19  }
0x9e: {  	s9 =	simm.s32 $0x0;
	s20 =	sshll.u32 s7, $0x1;
	s7 =	sadd.s32 s21, s5  }
0x9f: {  	[timem:s9], [sflag:s22] =	dma.local [hbm:s7], s20  }
0xa0: {  	_ =	swait.ge [sflag:s22], s20  }
0xa1: {  	s6 =	ssub.s32 $0x0, s20;
	[sflag:s22] =	ssyncset.done $0x0  }
0xa2: {  	[sflag:s22] =	ssyncadd.s32 s6;
	_ =	sdelay $0x1  }
0xa3: {  	s23 =	simm.s32 $0x1B8B  }
0xa4: {  	_ =	swait.ge [sflag:s23], $0x1  }
0xa5: {  	[sflag:s23] =	ssyncset.done $0x0  }
0xa6: {  	s25 =	simm.s32 $0x1B8E;
	s24 =	sld [smem:$0x3FFE];
	[sflag:s23] =	ssyncadd.s32 $0xFFFFFFFF  }
0xa7: {  	s26 =	simm.s32 $execute0_lowered;
	[smem:$0x3FD2] =	sst s25  }
0xa8: {  	s7 =	sshll.u32 s26, $0x1;
	_ =	strace $0x80000046;
	[dreg:$0x1] =	wrdreg $0xFFFFFFFF  }
0xa9: {  	s28 =	simm.s32 $_size_execute0_lowered;
	s5 =	sadd.s32 s5, s7;
	[dreg:$0x0] =	wrdreg $0x0  }
0xaa: {  	s7 =	sshll.u32 s28, $0x1;
	[dreg:$0x2] =	wrdreg s5  }
0xab: {  	[dreg:$0x3] =	wrdreg s7  }
0xac: {  	[dreg:$0x4] =	wrdreg $0xC0  }
0xad: {  	_ =	task [dreg:s9], $0x5FFFF  }
0xae: {  	[dreg:$0x1] =	wrdreg $0xFFFFFFFF  }
0xaf: {  	[dreg:$0x0] =	wrdreg $0x60  }
0xb0: {  	[dreg:$0x2] =	wrdreg s18  }
0xb1: {  	[dreg:$0x3] =	wrdreg s2  }
0xb2: {  	[dreg:$0x4] =	wrdreg s4  }
0xb3: {  	[dreg:$0x5] =	wrdreg s24  }
0xb4: {  	[dreg:$0x6] =	wrdreg $0x1CC800  }
0xb5: {  	[dreg:$0x7] =	wrdreg $0x1E4F00  }
0xb6: {  	[dreg:$0x8] =	wrdreg $0x9  }
0xb7: {  	_ =	task.clear_ibuf [dreg:s9], $0x9FFFF;
	_ =	strace $0x90000046  }
0xb8: {  	s29 =	simm.s32 $0x9;
	_ =	strace $0x80000048  }
0xb9: {  	_ =	swait.ge [sflag:s29], $0x1  }
0xba: {  	[sflag:s29] =	ssyncadd.s32 $0xFFFFFFFF  }
0xbb: {  	_ =	strace $0x90000048  }
0xbc: {  	_ =	sfence  }
0xbd: {  	s30 =	sld [smem:$0x0];
	_ =	sdelay $0x2  }
0xbe: {  	s31 =	sshll.u32 s1, $0xD;
	s1 =	sshrl.u32 s1, $0x2  }
0xbf: {  	s3 =	sand.u32 $0x4000, s31;
	s1 =	sadd.s32 s1, s30  }
0xc0: {  	s0 =	sor.u32 s3, s0;
	s1 =	sshll.u32 s1, $0x11  }
0xc1: {  	s0 =	sor.u32 s1, s0  }
0xc2: {  	s0 =	sadd.s32 $0x8F2B, s0  }
0xc3: {  	[sflag:s0] =	ssyncadd.remote.s32 $0x1  }
0xc4: {  	_ =	sfence.sel $0xFFFF  }
0xc5: {  	[dreg:$0x0] =	wrdreg $0xFFFFFFFF;
	(pc) =	sbr.abs _section_cstart, $3  }
0xc6: {  	[dreg:$0x1] =	wrdreg $0xFFFFFFFF  }
0xc7: {  	_ =	task.clear_ibuf [dreg:s9], $0x2FFFF;
	_ =	strace $0x9FFFFFFF  }
0xc8: {  	(tm) =	ssettm $0x7FFFFFFF  }
0xc9: {  	_ =	shalt  }
tec
execute0_lowered:
.L_overlay_start_1:
0x0: {  	(tag) =	ssettag $0x1  }
0x1: {  	s12 =	rddreg [dreg:$0x0]  }
0x2: {  	s0 =	rddreg [dreg:$0x1]  }
0x3: {  	s1 =	rddreg [dreg:$0x2]  }
0x4: {  	s11 =	rddreg [dreg:$0x3]  }
0x5: {  	s3 =	rddreg [dreg:$0x4]  }
0x6: {  	s13 =	rddreg [dreg:$0x5]  }
0x7: {  	s2 =	srdreg.scid;
	s6 =	simm.s32 $0x0;
	s14 =	stileid.u32  }
0x8: {  	s28 =	simm.s32 $0x1BF80;
	s29 =	simm.s32 $0x1BF00;
	s30 =	simm.s32 $0x1  }
0x9: {  	s31 =	simm.s32 $0x3;
	s2 =	sand.u32 $0x1, s2;
	[smem:$0x7FF] =	sst s6  }
0xa: {  	s5 =	sshll.u32 s14, $0x5;
	s25 =	sshll.u32 s14, $0x7;
	s26 =	smul.u32 $0x61C0, s14  }
0xb: {  	s15 =	sadd.s32 $0x187, s11;
	s17 =	sshll.u32 s14, $0xA;
	s21 =	sadd.s32 $0x200, s12  }
0xc: {  	s22 =	sadd.s32 $0x1000, s13;
	_ =	strace $0x80000047;
	[dreg:$0x9] =	wrdreg s15  }
0xd: {  	s4 =	sshll.u32 s2, $0x4;
	s2 =	ssub.s32 $0x2, s2;
	[dreg:$0xd] =	wrdreg s21  }
0xe: {  	s10 =	sand.u32 $0x380, s25;
	s19 =	sadd.s32 s17, s13;
	[dreg:$0xe] =	wrdreg s22  }
0xf: {  	s21 =	sadd.s32 $0x600, s12;
	s22 =	sadd.s32 $0x3000, s13;
	s15 =	simm.s32 $0x0  }
0x10: {  	s7 =	sor.u32 s14, s4;
	s4 =	sor.u32 s4, s5;
	s9 =	sshrl.u32 s2, $0x1  }
0x11: {  	s16 =	sshrl.u32 s26, $0x2;
	[dreg:$0xb] =	wrdreg s19;
	s14 =	simm.s32 $0x19B00  }
0x12: {  	s24 =	sshrl.u32 s7, $0x3;
	s4 =	sshrl.u32 s4, $0x3;
	s2 =	ssub.s32 s2, s9  }
0x13: {  	s7 =	simm.s32 $0x280;
	s9 =	simm.s32 $0x380;
	s8 =	smul.u32 $0xC3800, s24  }
0x14: {  	s4 =	sadd.s32 s4, s11;
	s5 =	sshll.u32 s24, $0x11;
	s24 =	sadd.s32 $0x400, s12  }
0x15: {  	[dreg:$0x10] =	wrdreg s24;
	s24 =	smax.u32 s2, $0x1;
	s8 =	sor.u32 s10, s8  }
0x16: {  	s2 =	simm.s32 $0x100;
	s10 =	sor.u32 s10, s5;
	s8 =	sshrl.u32 s8, $0x3  }
0x17: {  	s5 =	simm.s32 $0x2;
	s1 =	sadd.s32 s1, s8;
	s8 =	sadd.s32 s12, s25  }
0x18: {  	s25 =	sadd.s32 $0x2000, s13;
	s12 =	simm.s32 $0x1BB00;
	[dreg:$0x7] =	wrdreg s1  }
0x19: {  	[dreg:$0x8] =	wrdreg s8;
	s1 =	sshrl.u32 s10, $0x3;
	s10 =	sadd.s32 s16, s3  }
0x1a: {  	[dreg:$0x11] =	wrdreg s25;
	s11 =	sadd.s32 s0, s1;
	s18 =	sadd.s32 $0xC38, s10  }
0x1b: {  	s13 =	simm.s32 $0x4;
	[dreg:$0xa] =	wrdreg s18;
	s20 =	sadd.s32 $0x1000, s11  }
0x1c: {  	s25 =	simm.s32 $0x80;
	s23 =	sadd.s32 $0x2000, s11;
	[dreg:$0xc] =	wrdreg s20  }
0x1d: {  	s8 =	simm.s32 $0x300;
	s26 =	sadd.s32 $0x3000, s11;
	[dreg:$0xf] =	wrdreg s23  }
0x1e: {  	s1 =	simm.s32 $0x5;
	s0 =	simm.s32 $0x180;
	[dreg:$0x12] =	wrdreg s26  }
0x1f: {  	s23 =	sadd.s32 $0x200, s4;
	s26 =	simm.s32 $0x400;
	s4 =	simm.s32 $0x200  }
.LBB2_1:
0x20: {  	s16 =	rddreg [dreg:$0x7]  }
0x21: {  	[tilespmem:s26], [sflag:$0x4] =	stream.strided.gather [hbm4b:s16+s25], $0x18700, s26, s25, $0x38;
	[tilespmem:$0x1E8F0] =	vst v63  }
0x22: {  	s20 =	rddreg [dreg:$0x8]  }
0x23: {  	[tilespmem:s6], [sflag:$0x2] =	stream.linear.gather [hbm4b:s20+s6], $0x400, $0x38;
	[tilespmem:$0x1E8F0] =	vst v63  }
0x24: {  	s17 =	rddreg [dreg:$0x3]  }
0x25: {  	[tilespmem:s28], [sflag:$0x1] =	stream.linear.gather [hbm4b:s17+s6], $0xC38, $0x38;
	[tilespmem:$0x1E8F0] =	vst v63  }
0x26: {  	s18 =	rddreg [dreg:$0x9]  }
0x27: {  	[tilespmem:s29], [sflag:$0x3] =	stream.linear.gather [hbm4b:s18+s6], $0x80, $0x38;
	[tilespmem:$0x1E8F0] =	vst v63  }
0x28: {  	_ =	swait.ge [sflag:s30], $0xC38  }
0x29: {  	[sflag:s30] =	ssyncset.done $0x0  }
0x2a: {  	[sflag:s30] =	ssyncadd.s32 $0xFFFFF3C8  }
0x2b: {  	_ =	swait.ge [sflag:s31], $0x80  }
0x2c: {  	[sflag:s31] =	ssyncset.done $0x0  }
0x2d: {  	[sflag:s31] =	ssyncadd.s32 $0xFFFFFF80  }
0x2e: {  	[spmem:s10] =	stream.linear.scatter [tilespmem:s28], [sflag:$0x1], $0xC38, $0x38;
	[tilespmem:$0x1E8F0] =	vst v63  }
0x2f: {  	s19 =	rddreg [dreg:$0xa]  }
0x30: {  	[spmem:s19] =	stream.linear.scatter [tilespmem:s28], [sflag:$0x5], $0xC38, $0x38;
	[tilespmem:$0x1E8F0] =	vst v63  }
0x31: {  	_ =	swait.ge [sflag:s1], $0xC38  }
0x32: {  	[sflag:s1] =	ssyncset.done $0x0  }
0x33: {  	[sflag:s1] =	ssyncadd.s32 $0xFFFFF3C8  }
0x34: {  	_ =	swait.ge [sflag:s30], $0xC38  }
0x35: {  	[sflag:s30] =	ssyncset.done $0x0  }
0x36: {  	[sflag:s30] =	ssyncadd.s32 $0xFFFFF3C8  }
0x37: {  	[bflag:$0x0] =	sbarrier.arrive $0xFFFF  }
0x38: {  	_ =	swait.ge [sflag:s5], $0x400  }
0x39: {  	[sflag:s5] =	ssyncset.done $0x0  }
0x3a: {  	[sflag:s5] =	ssyncadd.s32 $0xFFFFFC00  }
0x3b: {  	[spmem:s3] =	stream.indirect.scatter.add.f32 [tilespmem:s29], [sflag:$0x3], $0x1, s6, s25, $0xb8;
	[tilespmem:$0x1E8F0] =	vst v63  }
0x3c: {  	_ = 	snop  }
0x3d: {  	[spmem:s3] =	stream.indirect.scatter.add.f32 [tilespmem:s29], [sflag:$0x3], $0x1, s25, s25, $0xb8;
	[tilespmem:$0x1E8F0] =	vst v63  }
0x3e: {  	_ = 	snop  }
0x3f: {  	[spmem:s3] =	stream.indirect.scatter.add.f32 [tilespmem:s29], [sflag:$0x3], $0x1, s2, s25, $0xb8;
	[tilespmem:$0x1E8F0] =	vst v63  }
0x40: {  	_ = 	snop  }
0x41: {  	[spmem:s3] =	stream.indirect.scatter.add.f32 [tilespmem:s29], [sflag:$0x3], $0x1, s0, s25, $0xb8;
	[tilespmem:$0x1E8F0] =	vst v63  }
0x42: {  	_ = 	snop  }
0x43: {  	[spmem:s3] =	stream.indirect.scatter.add.f32 [tilespmem:s29], [sflag:$0x3], $0x1, s4, s25, $0xb8;
	[tilespmem:$0x1E8F0] =	vst v63  }
0x44: {  	_ = 	snop  }
0x45: {  	[spmem:s3] =	stream.indirect.scatter.add.f32 [tilespmem:s29], [sflag:$0x3], $0x1, s7, s25, $0xb8;
	[tilespmem:$0x1E8F0] =	vst v63  }
0x46: {  	_ = 	snop  }
0x47: {  	[spmem:s3] =	stream.indirect.scatter.add.f32 [tilespmem:s29], [sflag:$0x3], $0x1, s8, s25, $0xb8;
	[tilespmem:$0x1E8F0] =	vst v63  }
0x48: {  	_ = 	snop  }
0x49: {  	[spmem:s3] =	stream.indirect.scatter.add.f32 [tilespmem:s29], [sflag:$0x3], $0x1, s9, s25, $0xb8;
	[tilespmem:$0x1E8F0] =	vst v63  }
0x4a: {  	_ =	swait.ge [sflag:s31], $0x80  }
0x4b: {  	[sflag:s31] =	ssyncset.done $0x0  }
0x4c: {  	[sflag:s31] =	ssyncadd.s32 $0xFFFFFF80  }
0x4d: {  	_ =	swait.ge [sflag:s31], $0x80  }
0x4e: {  	[sflag:s31] =	ssyncset.done $0x0  }
0x4f: {  	[sflag:s31] =	ssyncadd.s32 $0xFFFFFF80  }
0x50: {  	_ =	swait.ge [sflag:s31], $0x80  }
0x51: {  	[sflag:s31] =	ssyncset.done $0x0  }
0x52: {  	[sflag:s31] =	ssyncadd.s32 $0xFFFFFF80  }
0x53: {  	_ =	swait.ge [sflag:s31], $0x80  }
0x54: {  	[sflag:s31] =	ssyncset.done $0x0  }
0x55: {  	[sflag:s31] =	ssyncadd.s32 $0xFFFFFF80  }
0x56: {  	_ =	swait.ge [sflag:s31], $0x80  }
0x57: {  	[sflag:s31] =	ssyncset.done $0x0  }
0x58: {  	[sflag:s31] =	ssyncadd.s32 $0xFFFFFF80  }
0x59: {  	_ =	swait.ge [sflag:s31], $0x80  }
0x5a: {  	[sflag:s31] =	ssyncset.done $0x0  }
0x5b: {  	[sflag:s31] =	ssyncadd.s32 $0xFFFFFF80  }
0x5c: {  	_ =	swait.ge [sflag:s31], $0x80  }
0x5d: {  	[sflag:s31] =	ssyncset.done $0x0  }
0x5e: {  	[sflag:s31] =	ssyncadd.s32 $0xFFFFFF80  }
0x5f: {  	_ =	swait.ge [sflag:s31], $0x80  }
0x60: {  	[sflag:s31] =	ssyncset.done $0x0  }
0x61: {  	[sflag:s31] =	ssyncadd.s32 $0xFFFFFF80  }
0x62: {  	[bflag:$0x0] =	sbarrier.arrive $0xFFFF  }
0x63: {  	[tilespmem:s12], [sflag:$0x3] =	stream.indirect.gather [spmem:s3], $0x1, s6, s25, $0xb8;
	[tilespmem:$0x1E8F0] =	vst v63  }
0x64: {  	s20 =	simm.s32 $0x1BB80  }
0x65: {  	[tilespmem:s20], [sflag:$0x3] =	stream.indirect.gather [spmem:s3], $0x1, s25, s25, $0xb8;
	[tilespmem:$0x1E8F0] =	vst v63  }
0x66: {  	s17 =	simm.s32 $0x1BC00  }
0x67: {  	[tilespmem:s17], [sflag:$0x3] =	stream.indirect.gather [spmem:s3], $0x1, s2, s25, $0xb8;
	[tilespmem:$0x1E8F0] =	vst v63  }
0x68: {  	s18 =	simm.s32 $0x1BC80  }
0x69: {  	[tilespmem:s18], [sflag:$0x3] =	stream.indirect.gather [spmem:s3], $0x1, s0, s25, $0xb8;
	[tilespmem:$0x1E8F0] =	vst v63  }
0x6a: {  	s19 =	simm.s32 $0x1BD00  }
0x6b: {  	[tilespmem:s19], [sflag:$0x3] =	stream.indirect.gather [spmem:s3], $0x1, s4, s25, $0xb8;
	[tilespmem:$0x1E8F0] =	vst v63  }
0x6c: {  	s20 =	simm.s32 $0x1BD80  }
0x6d: {  	[tilespmem:s20], [sflag:$0x3] =	stream.indirect.gather [spmem:s3], $0x1, s7, s25, $0xb8;
	[tilespmem:$0x1E8F0] =	vst v63  }
0x6e: {  	s17 =	simm.s32 $0x1BE00  }
0x6f: {  	[tilespmem:s17], [sflag:$0x3] =	stream.indirect.gather [spmem:s3], $0x1, s8, s25, $0xb8;
	[tilespmem:$0x1E8F0] =	vst v63  }
0x70: {  	s18 =	simm.s32 $0x1BE80  }
0x71: {  	[tilespmem:s18], [sflag:$0x3] =	stream.indirect.gather [spmem:s3], $0x1, s9, s25, $0xb8;
	[tilespmem:$0x1E8F0] =	vst v63  }
0x72: {  	_ =	swait.ge [sflag:s31], $0x80  }
0x73: {  	[sflag:s31] =	ssyncset.done $0x0  }
0x74: {  	[sflag:s31] =	ssyncadd.s32 $0xFFFFFF80  }
0x75: {  	_ =	swait.ge [sflag:s31], $0x80  }
0x76: {  	[sflag:s31] =	ssyncset.done $0x0  }
0x77: {  	[sflag:s31] =	ssyncadd.s32 $0xFFFFFF80  }
0x78: {  	_ =	swait.ge [sflag:s31], $0x80  }
0x79: {  	[sflag:s31] =	ssyncset.done $0x0  }
0x7a: {  	[sflag:s31] =	ssyncadd.s32 $0xFFFFFF80  }
0x7b: {  	_ =	swait.ge [sflag:s31], $0x80  }
0x7c: {  	[sflag:s31] =	ssyncset.done $0x0  }
0x7d: {  	[sflag:s31] =	ssyncadd.s32 $0xFFFFFF80  }
0x7e: {  	_ =	swait.ge [sflag:s31], $0x80  }
0x7f: {  	[sflag:s31] =	ssyncset.done $0x0  }
0x80: {  	[sflag:s31] =	ssyncadd.s32 $0xFFFFFF80  }
0x81: {  	_ =	swait.ge [sflag:s31], $0x80  }
0x82: {  	[sflag:s31] =	ssyncset.done $0x0  }
0x83: {  	[sflag:s31] =	ssyncadd.s32 $0xFFFFFF80  }
0x84: {  	_ =	swait.ge [sflag:s31], $0x80  }
0x85: {  	[sflag:s31] =	ssyncset.done $0x0  }
0x86: {  	[sflag:s31] =	ssyncadd.s32 $0xFFFFFF80  }
0x87: {  	_ =	swait.ge [sflag:s31], $0x80  }
0x88: {  	[sflag:s31] =	ssyncset.done $0x0  }
0x89: {  	s19 =	rddreg [dreg:$0xb];
	[sflag:s31] =	ssyncadd.s32 $0xFFFFFF80  }
0x8a: {  	[spmem:s19] =	stream.linear.scatter [tilespmem:s12], [sflag:$0x5], $0x400, $0x38;
	[tilespmem:$0x1E8F0] =	vst v63  }
0x8b: {  	_ =	swait.ge [sflag:s1], $0x400  }
0x8c: {  	[sflag:s1] =	ssyncset.done $0x0  }
0x8d: {  	[sflag:s1] =	ssyncadd.s32 $0xFFFFFC00  }
0x8e: {  	[bflag:$0x0] =	sbarrier.arrive $0xFFFF  }
0x8f: {  	_ =	swait.ge [sflag:s13], $0x18700  }
0x90: {  	[sflag:s13] =	ssyncset.done $0x0  }
0x91: {  	s16 =	simm.s32 $0x18B00;
	[sflag:s13] =	ssyncadd.s32 $0xFFFE7900  }
0x92: {  	[tilespmem:s16], [sflag:$0x4] =	stream.strided.gather [hbm4b:s11+s25], $0x1000, s26, s25, $0x38;
	[tilespmem:$0x1E8F0] =	vst v63  }
0x93: {  	s17 =	rddreg [dreg:$0x0]  }
0x94: {  	[tilespmem:s14], [sflag:$0x2] =	stream.linear.gather [hbm4b:s17+s6], $0x1000, $0x38;
	[tilespmem:$0x1E8F0] =	vst v63  }
0x95: {  	s20 =	simm.s32 $0x1AB00;
	s18 =	rddreg [dreg:$0x5]  }
0x96: {  	[tilespmem:s20], [sflag:$0x1] =	stream.linear.gather [spmem:s18], $0x1000, $0x38;
	[tilespmem:$0x1E8F0] =	vst v63  }
0x97: {  	_ =	swait.ge [sflag:s13], $0x1000  }
0x98: {  	[sflag:s13] =	ssyncset.done $0x0  }
0x99: {  	[sflag:s13] =	ssyncadd.s32 $0xFFFFF000  }
0x9a: {  	_ =	swait.ge [sflag:s5], $0x1000  }
0x9b: {  	[sflag:s5] =	ssyncset.done $0x0  }
0x9c: {  	[sflag:s5] =	ssyncadd.s32 $0xFFFFF000  }
0x9d: {  	_ =	swait.ge [sflag:s30], $0x1000  }
0x9e: {  	[sflag:s30] =	ssyncset.done $0x0  }
0x9f: {  	[sflag:s30] =	ssyncadd.s32 $0xFFFFF000  }
0xa0: {  	v0 =	vld [tilespmem:s20+$0x0];
	_ =	sdelay $0x2  }
0xa1: {  	s18 =	sand.u32 $0xFF0, s6  }
0xa2: {  	v1 =	vld [tilespmem:s18+$0x19B00]  }
0xa3: {  	v0 =	vadd.f32 $1.000000000e+00, v0;
	_ =	sdelay $0x1  }
0xa4: {  	(erf) = vrcp.f32 v0  }
0xa5: {  	s19 =	simm.s32 $0x1AB10  }
0xa6: {  	s20 =	simm.s32 $0x10;
	v0 =	vld [tilespmem:s19+$0x0]  }
0xa7: {  	v4 =	vld [tilespmem:s16+$0x0];
	s16 =	sand.u32 $0xFF0, s20  }
0xa8: {  	v3 =	vld [tilespmem:s16+$0x19B00]  }
0xa9: {  	v1 =	vld.idx.msk [tilespmem:v1+s26+$0x0], $0xffff;
	_ =	sdelay $0x1  }
0xaa: {  	v0 =	vadd.f32 $1.000000000e+00, v0;
	_ =	sdelay $0x1  }
0xab: {  	(erf) = vrcp.f32 v0;
	v2 =	vpop (erf)  }
0xac: {  	s17 =	simm.s32 $0x1AB20;
	v1 =	vsub.f32 v4, v1;
	v2 =	vmul.f32 $5.000000000e-01, v2  }
0xad: {  	s18 =	simm.s32 $0x20;
	s16 =	simm.s32 $0x18B10;
	s19 =	simm.s32 $0x30;
	v4 =	vld [tilespmem:s17+$0x0];
	v0 =	vimm.f32 $0.0e+00  }
.LBB2_2:
0xae: {  	p0 =	sne.s32 s19, $0xFF0;
	v5 =	vld [tilespmem:s16+$0x0];
	v2 =	vmul.f32 v2, v1  }
0xaf: {  	s20 =	sand.u32 $0xFF0, s18;
	s18 =	smov.u32 s19;
	v6 =	vld.idx.msk [tilespmem:v3+s26+$0x0], $0xffff  }
0xb0: {  	v3 =	vld [tilespmem:s20+$0x19B00];
	v1 =	vmul.f32 v2, v1;
	_ =	sdelay $0x1  }
.Ltmp0:
0xb1: {  	v2 =	vadd.f32 $1.000000000e+00, v4;
	v0 =	vadd.f32 v1, v0;
	(pc) =	sbr.rel @p0 .LBB2_2-.Ltmp0, $4  }
0xb2: {  	_ = 	snop  }
0xb3: {  	(erf) = vrcp.f32 v2;
	v1 =	vpop (erf)  }
0xb4: {  	s17 =	sadd.s32 $0x10, s17;
	v2 =	vmul.f32 $5.000000000e-01, v1;
	v1 =	vsub.f32 v5, v6  }
0xb5: {  	s19 =	sadd.s32 $0x10, s19;
	s16 =	sadd.s32 $0x10, s16;
	v4 =	vld [tilespmem:s17+$0x0]  }
0xb6: {  	_ =	sdelay $0x1  }
0xb7: {  	s17 =	sand.u32 $0xFF0, s18  }
0xb8: {  	v5 =	vld [tilespmem:s17+$0x19B00]  }
0xb9: {  	v4 =	vadd.f32 $1.000000000e+00, v4;
	_ =	sdelay $0x1  }
0xba: {  	(erf) = vrcp.f32 v4;
	_ =	sdelay $0x1  }
0xbb: {  	v3 =	vld.idx.msk [tilespmem:v3+s26+$0x0], $0xffff;
	s17 =	sadd.s32 $0x10, s16  }
0xbc: {  	v6 =	vld [tilespmem:s17+$0x0]  }
0xbd: {  	s18 =	rddreg [dreg:$0xc];
	v4 =	vld [tilespmem:s16+$0x0];
	s16 =	simm.s32 $0x18B00  }
0xbe: {  	v5 =	vld.idx.msk [tilespmem:v5+s26+$0x0], $0xffff;
	[tilespmem:s16], [sflag:$0x4] =	stream.strided.gather [hbm4b:s18+s25], $0x1000, s26, s25, $0x38  }
0xbf: {  	s19 =	rddreg [dreg:$0xd];
	s17 =	simm.s32 $0x0  }
0xc0: {  	[tilespmem:s14], [sflag:$0x2] =	stream.linear.gather [hbm4b:s19+s17], $0x1000, $0x38;
	[tilespmem:$0x1E8F0] =	vst v63  }
0xc1: {  	s20 =	simm.s32 $0x1AB00;
	v7 =	vpop (erf);
	s19 =	rddreg [dreg:$0xe]  }
0xc2: {  	[tilespmem:s20], [sflag:$0x1] =	stream.linear.gather [spmem:s19], $0x1000, $0x38;
	v8 =	vpop (erf);
	[tilespmem:$0x1E8F0] =	vst v63  }
0xc3: {  	_ =	swait.ge [sflag:s13], $0x1000  }
0xc4: {  	[sflag:s13] =	ssyncset.done $0x0  }
0xc5: {  	[sflag:s13] =	ssyncadd.s32 $0xFFFFF000  }
0xc6: {  	_ =	swait.ge [sflag:s5], $0x1000  }
0xc7: {  	[sflag:s5] =	ssyncset.done $0x0  }
0xc8: {  	[sflag:s5] =	ssyncadd.s32 $0xFFFFF000  }
0xc9: {  	_ =	swait.ge [sflag:s30], $0x1000  }
0xca: {  	[sflag:s30] =	ssyncset.done $0x0  }
0xcb: {  	[sflag:s30] =	ssyncadd.s32 $0xFFFFF000  }
0xcc: {  	v9 =	vld [tilespmem:s20+$0x0];
	_ =	sdelay $0x2  }
0xcd: {  	s17 =	sand.u32 $0xFF0, s17  }
0xce: {  	v10 =	vld [tilespmem:s17+$0x19B00]  }
0xcf: {  	v2 =	vmul.f32 v2, v1;
	v9 =	vadd.f32 $1.000000000e+00, v9  }
0xd0: {  	v3 =	vsub.f32 v4, v3;
	v4 =	vmul.f32 $5.000000000e-01, v7  }
0xd1: {  	v1 =	vmul.f32 v2, v1;
	(erf) = vrcp.f32 v9  }
0xd2: {  	s19 =	simm.s32 $0x1AB10;
	v2 =	vmul.f32 v4, v3;
	v5 =	vsub.f32 v6, v5;
	v4 =	vmul.f32 $5.000000000e-01, v8  }
0xd3: {  	v6 =	vld [tilespmem:s19+$0x0];
	s20 =	simm.s32 $0x10  }
0xd4: {  	v0 =	vadd.f32 v1, v0;
	v1 =	vmul.f32 v2, v3;
	v2 =	vmul.f32 v4, v5;
	v7 =	vld [tilespmem:s16+$0x0];
	s16 =	sand.u32 $0xFF0, s20  }
0xd5: {  	v3 =	vld [tilespmem:s16+$0x19B00]  }
0xd6: {  	v0 =	vadd.f32 v1, v0;
	v1 =	vmul.f32 v2, v5;
	v4 =	vld.idx.msk [tilespmem:v10+s26+$0x0], $0xffff;
	_ =	sdelay $0x1  }
0xd7: {  	v2 =	vadd.f32 $1.000000000e+00, v6;
	_ =	sdelay $0x1  }
0xd8: {  	v0 =	vadd.f32 v1, v0;
	v1 =	vpop (erf);
	(erf) = vrcp.f32 v2  }
0xd9: {  	s17 =	simm.s32 $0x1AB20;
	v2 =	vmul.f32 $5.000000000e-01, v1;
	v1 =	vsub.f32 v7, v4  }
0xda: {  	s18 =	simm.s32 $0x20;
	s19 =	simm.s32 $0x30;
	s16 =	simm.s32 $0x18B10;
	v4 =	vld [tilespmem:s17+$0x0]  }
.LBB2_4:
0xdb: {  	p0 =	sne.s32 s19, $0xFF0;
	v5 =	vld [tilespmem:s16+$0x0];
	v2 =	vmul.f32 v2, v1  }
0xdc: {  	s20 =	sand.u32 $0xFF0, s18;
	s18 =	smov.u32 s19;
	v6 =	vld.idx.msk [tilespmem:v3+s26+$0x0], $0xffff  }
0xdd: {  	v3 =	vld [tilespmem:s20+$0x19B00];
	v1 =	vmul.f32 v2, v1;
	_ =	sdelay $0x1  }
.Ltmp1:
0xde: {  	v2 =	vadd.f32 $1.000000000e+00, v4;
	v0 =	vadd.f32 v1, v0;
	(pc) =	sbr.rel @p0 .LBB2_4-.Ltmp1, $4  }
0xdf: {  	_ = 	snop  }
0xe0: {  	(erf) = vrcp.f32 v2;
	v1 =	vpop (erf)  }
0xe1: {  	s17 =	sadd.s32 $0x10, s17;
	v2 =	vmul.f32 $5.000000000e-01, v1;
	v1 =	vsub.f32 v5, v6  }
0xe2: {  	s19 =	sadd.s32 $0x10, s19;
	s16 =	sadd.s32 $0x10, s16;
	v4 =	vld [tilespmem:s17+$0x0]  }
0xe3: {  	_ =	sdelay $0x1  }
0xe4: {  	s17 =	sand.u32 $0xFF0, s18  }
0xe5: {  	v5 =	vld [tilespmem:s17+$0x19B00]  }
0xe6: {  	v4 =	vadd.f32 $1.000000000e+00, v4;
	_ =	sdelay $0x1  }
0xe7: {  	(erf) = vrcp.f32 v4;
	_ =	sdelay $0x1  }
0xe8: {  	v3 =	vld.idx.msk [tilespmem:v3+s26+$0x0], $0xffff;
	s17 =	sadd.s32 $0x10, s16  }
0xe9: {  	v6 =	vld [tilespmem:s17+$0x0]  }
0xea: {  	s18 =	rddreg [dreg:$0xf];
	v4 =	vld [tilespmem:s16+$0x0];
	s16 =	simm.s32 $0x18B00  }
0xeb: {  	v5 =	vld.idx.msk [tilespmem:v5+s26+$0x0], $0xffff;
	[tilespmem:s16], [sflag:$0x4] =	stream.strided.gather [hbm4b:s18+s25], $0x1000, s26, s25, $0x38  }
0xec: {  	s19 =	rddreg [dreg:$0x10];
	s17 =	simm.s32 $0x0  }
0xed: {  	[tilespmem:s14], [sflag:$0x2] =	stream.linear.gather [hbm4b:s19+s17], $0x1000, $0x38;
	[tilespmem:$0x1E8F0] =	vst v63  }
0xee: {  	s20 =	simm.s32 $0x1AB00;
	v7 =	vpop (erf);
	s19 =	rddreg [dreg:$0x11]  }
0xef: {  	[tilespmem:s20], [sflag:$0x1] =	stream.linear.gather [spmem:s19], $0x1000, $0x38;
	v8 =	vpop (erf);
	[tilespmem:$0x1E8F0] =	vst v63  }
0xf0: {  	_ =	swait.ge [sflag:s13], $0x1000  }
0xf1: {  	[sflag:s13] =	ssyncset.done $0x0  }
0xf2: {  	[sflag:s13] =	ssyncadd.s32 $0xFFFFF000  }
0xf3: {  	_ =	swait.ge [sflag:s5], $0x1000  }
0xf4: {  	[sflag:s5] =	ssyncset.done $0x0  }
0xf5: {  	[sflag:s5] =	ssyncadd.s32 $0xFFFFF000  }
0xf6: {  	_ =	swait.ge [sflag:s30], $0x1000  }
0xf7: {  	[sflag:s30] =	ssyncset.done $0x0  }
0xf8: {  	[sflag:s30] =	ssyncadd.s32 $0xFFFFF000  }
0xf9: {  	v9 =	vld [tilespmem:s20+$0x0];
	_ =	sdelay $0x2  }
0xfa: {  	s17 =	sand.u32 $0xFF0, s17  }
0xfb: {  	v10 =	vld [tilespmem:s17+$0x19B00]  }
0xfc: {  	v2 =	vmul.f32 v2, v1;
	v9 =	vadd.f32 $1.000000000e+00, v9  }
0xfd: {  	v3 =	vsub.f32 v4, v3;
	v4 =	vmul.f32 $5.000000000e-01, v7  }
0xfe: {  	v1 =	vmul.f32 v2, v1;
	(erf) = vrcp.f32 v9  }
0xff: {  	s19 =	simm.s32 $0x1AB10;
	v2 =	vmul.f32 v4, v3;
	v5 =	vsub.f32 v6, v5;
	v4 =	vmul.f32 $5.000000000e-01, v8  }
0x100: {  	v6 =	vld [tilespmem:s19+$0x0];
	s20 =	simm.s32 $0x10  }
0x101: {  	v0 =	vadd.f32 v1, v0;
	v1 =	vmul.f32 v2, v3;
	v2 =	vmul.f32 v4, v5;
	v7 =	vld [tilespmem:s16+$0x0];
	s16 =	sand.u32 $0xFF0, s20  }
0x102: {  	v3 =	vld [tilespmem:s16+$0x19B00]  }
0x103: {  	v0 =	vadd.f32 v1, v0;
	v1 =	vmul.f32 v2, v5;
	v4 =	vld.idx.msk [tilespmem:v10+s26+$0x0], $0xffff;
	_ =	sdelay $0x1  }
0x104: {  	v2 =	vadd.f32 $1.000000000e+00, v6;
	_ =	sdelay $0x1  }
0x105: {  	v0 =	vadd.f32 v1, v0;
	v1 =	vpop (erf);
	(erf) = vrcp.f32 v2  }
0x106: {  	s17 =	simm.s32 $0x1AB20;
	v2 =	vmul.f32 $5.000000000e-01, v1;
	v1 =	vsub.f32 v7, v4  }
0x107: {  	s18 =	simm.s32 $0x20;
	s19 =	simm.s32 $0x30;
	s16 =	simm.s32 $0x18B10;
	v4 =	vld [tilespmem:s17+$0x0]  }
.LBB2_6:
0x108: {  	p0 =	sne.s32 s19, $0xFF0;
	v5 =	vld [tilespmem:s16+$0x0];
	v2 =	vmul.f32 v2, v1  }
0x109: {  	s20 =	sand.u32 $0xFF0, s18;
	s18 =	smov.u32 s19;
	v6 =	vld.idx.msk [tilespmem:v3+s26+$0x0], $0xffff  }
0x10a: {  	v3 =	vld [tilespmem:s20+$0x19B00];
	v1 =	vmul.f32 v2, v1;
	_ =	sdelay $0x1  }
.Ltmp2:
0x10b: {  	v2 =	vadd.f32 $1.000000000e+00, v4;
	v0 =	vadd.f32 v1, v0;
	(pc) =	sbr.rel @p0 .LBB2_6-.Ltmp2, $4  }
0x10c: {  	_ = 	snop  }
0x10d: {  	(erf) = vrcp.f32 v2;
	v1 =	vpop (erf)  }
0x10e: {  	s17 =	sadd.s32 $0x10, s17;
	v2 =	vmul.f32 $5.000000000e-01, v1;
	v1 =	vsub.f32 v5, v6  }
0x10f: {  	s19 =	sadd.s32 $0x10, s19;
	s16 =	sadd.s32 $0x10, s16;
	v4 =	vld [tilespmem:s17+$0x0]  }
0x110: {  	_ =	sdelay $0x1  }
0x111: {  	s17 =	sand.u32 $0xFF0, s18  }
0x112: {  	v5 =	vld [tilespmem:s17+$0x19B00]  }
0x113: {  	v4 =	vadd.f32 $1.000000000e+00, v4;
	_ =	sdelay $0x1  }
0x114: {  	(erf) = vrcp.f32 v4;
	_ =	sdelay $0x1  }
0x115: {  	v3 =	vld.idx.msk [tilespmem:v3+s26+$0x0], $0xffff;
	s17 =	sadd.s32 $0x10, s16  }
0x116: {  	v6 =	vld [tilespmem:s17+$0x0]  }
0x117: {  	s18 =	rddreg [dreg:$0x12];
	v4 =	vld [tilespmem:s16+$0x0];
	s16 =	simm.s32 $0x18B00  }
0x118: {  	v5 =	vld.idx.msk [tilespmem:v5+s26+$0x0], $0xffff;
	[tilespmem:s16], [sflag:$0x4] =	stream.strided.gather [hbm4b:s18+s25], $0x1000, s26, s25, $0x38  }
0x119: {  	s19 =	simm.s32 $0x0  }
0x11a: {  	[tilespmem:s14], [sflag:$0x2] =	stream.linear.gather [hbm4b:s21+s19], $0x1000, $0x38;
	[tilespmem:$0x1E8F0] =	vst v63  }
0x11b: {  	s20 =	simm.s32 $0x1AB00;
	v7 =	vpop (erf)  }
0x11c: {  	[tilespmem:s20], [sflag:$0x1] =	stream.linear.gather [spmem:s22], $0x1000, $0x38;
	v8 =	vpop (erf);
	[tilespmem:$0x1E8F0] =	vst v63  }
0x11d: {  	_ =	swait.ge [sflag:s13], $0x1000  }
0x11e: {  	[sflag:s13] =	ssyncset.done $0x0  }
0x11f: {  	[sflag:s13] =	ssyncadd.s32 $0xFFFFF000  }
0x120: {  	_ =	swait.ge [sflag:s5], $0x1000  }
0x121: {  	[sflag:s5] =	ssyncset.done $0x0  }
0x122: {  	[sflag:s5] =	ssyncadd.s32 $0xFFFFF000  }
0x123: {  	_ =	swait.ge [sflag:s30], $0x1000  }
0x124: {  	[sflag:s30] =	ssyncset.done $0x0  }
0x125: {  	[sflag:s30] =	ssyncadd.s32 $0xFFFFF000  }
0x126: {  	v9 =	vld [tilespmem:s20+$0x0];
	_ =	sdelay $0x1  }
0x127: {  	v2 =	vmul.f32 v2, v1;
	v3 =	vsub.f32 v4, v3;
	v4 =	vmul.f32 $5.000000000e-01, v7  }
0x128: {  	s17 =	sand.u32 $0xFF0, s19  }
0x129: {  	v1 =	vmul.f32 v2, v1;
	v2 =	vmul.f32 v4, v3;
	v10 =	vld [tilespmem:s17+$0x19B00]  }
0x12a: {  	v5 =	vsub.f32 v6, v5;
	v4 =	vmul.f32 $5.000000000e-01, v8;
	v9 =	vadd.f32 $1.000000000e+00, v9  }
0x12b: {  	v0 =	vadd.f32 v1, v0;
	v1 =	vmul.f32 v2, v3  }
0x12c: {  	v2 =	vmul.f32 v4, v5;
	(erf) = vrcp.f32 v9  }
0x12d: {  	s19 =	simm.s32 $0x1AB10  }
0x12e: {  	v0 =	vadd.f32 v1, v0;
	v1 =	vmul.f32 v2, v5;
	v6 =	vld [tilespmem:s19+$0x0];
	s20 =	simm.s32 $0x10  }
0x12f: {  	v7 =	vld [tilespmem:s16+$0x0];
	s16 =	sand.u32 $0xFF0, s20  }
0x130: {  	v0 =	vadd.f32 v1, v0;
	v1 =	vld [tilespmem:s16+$0x19B00]  }
0x131: {  	v4 =	vld.idx.msk [tilespmem:v10+s26+$0x0], $0xffff;
	_ =	sdelay $0x1  }
0x132: {  	v2 =	vadd.f32 $1.000000000e+00, v6;
	_ =	sdelay $0x1  }
0x133: {  	v3 =	vpop (erf);
	(erf) = vrcp.f32 v2  }
0x134: {  	s17 =	simm.s32 $0x1AB20;
	v2 =	vsub.f32 v7, v4;
	v3 =	vmul.f32 $5.000000000e-01, v3  }
0x135: {  	s18 =	simm.s32 $0x20;
	s19 =	simm.s32 $0x30;
	s16 =	simm.s32 $0x18B10;
	v4 =	vld [tilespmem:s17+$0x0]  }
.LBB2_8:
0x136: {  	p0 =	sne.s32 s19, $0xFF0;
	v5 =	vld [tilespmem:s16+$0x0];
	v3 =	vmul.f32 v3, v2  }
0x137: {  	s20 =	sand.u32 $0xFF0, s18;
	s18 =	smov.u32 s19;
	v6 =	vld.idx.msk [tilespmem:v1+s26+$0x0], $0xffff  }
0x138: {  	v1 =	vld [tilespmem:s20+$0x19B00];
	v2 =	vmul.f32 v3, v2;
	_ =	sdelay $0x1  }
.Ltmp3:
0x139: {  	v3 =	vadd.f32 $1.000000000e+00, v4;
	v0 =	vadd.f32 v2, v0;
	(pc) =	sbr.rel @p0 .LBB2_8-.Ltmp3, $4  }
0x13a: {  	_ = 	snop  }
0x13b: {  	(erf) = vrcp.f32 v3;
	v2 =	vpop (erf)  }
0x13c: {  	s17 =	sadd.s32 $0x10, s17;
	v3 =	vmul.f32 $5.000000000e-01, v2;
	v2 =	vsub.f32 v5, v6  }
0x13d: {  	s19 =	sadd.s32 $0x10, s19;
	s16 =	sadd.s32 $0x10, s16;
	v4 =	vld [tilespmem:s17+$0x0]  }
0x13e: {  	_ =	sdelay $0x1  }
0x13f: {  	s17 =	sand.u32 $0xFF0, s18  }
0x140: {  	v5 =	vld [tilespmem:s17+$0x19B00]  }
0x141: {  	v4 =	vadd.f32 $1.000000000e+00, v4;
	_ =	sdelay $0x1  }
0x142: {  	(erf) = vrcp.f32 v4;
	_ =	sdelay $0x1  }
0x143: {  	v59 =	vld [tilespmem:s16+$0x0]  }
0x144: {  	v1 =	vld.idx.msk [tilespmem:v1+s26+$0x0], $0xffff;
	s19 =	sadd.s32 $0x10, s16  }
0x145: {  	v6 =	vld [tilespmem:s19+$0x0]  }
0x146: {  	v5 =	vld.idx.msk [tilespmem:v5+s26+$0x0], $0xffff;
	_ =	sdelay $0x1  }
0x147: {  	v3 =	vmul.f32 v3, v2;
	v7 =	vpop (erf)  }
0x148: {  	v1 =	vsub.f32 v59, v1;
	v60 =	vmul.f32 $5.000000000e-01, v7  }
0x149: {  	v2 =	vmul.f32 v3, v2;
	v61 =	vpop (erf)  }
0x14a: {  	v4 =	vmul.f32 v60, v1;
	v5 =	vsub.f32 v6, v5;
	v3 =	vmul.f32 $5.000000000e-01, v61;
	_ =	sdelay $0x1  }
0x14b: {  	v0 =	vadd.f32 v2, v0;
	v1 =	vmul.f32 v4, v1;
	v62 =	vmul.f32 v3, v5;
	_ =	sdelay $0x1  }
0x14c: {  	v0 =	vadd.f32 v1, v0;
	v63 =	vmul.f32 v62, v5;
	_ =	sdelay $0x1  }
0x14d: {  	v0 =	vadd.f32 v63, v0  }
0x14e: {  	s15 =	sadd.s32 $0x1, s15  }
0x14f: {  	p0 =	sne.s32 s15, s24;
	[tilespmem:$0x1CC00] =	vst v0  }
.Ltmp4:
0x150: {  	s20 =	simm.s32 $0x1CC00;
	[bflag:$0x0] =	sbarrier.arrive $0xFFFF;
	(pc) =	sbr.rel @p0 .LBB2_1-.Ltmp4, $4  }
0x151: {  	[hbm4b:s23+s6] =	stream.linear.scatter [tilespmem:s20], [sflag:$0x5], $0x10, $0x38;
	[tilespmem:$0x1E8F0] =	vst v63  }
0x152: {  	_ =	swait.ge [sflag:s1], $0x10  }
0x153: {  	[sflag:s1] =	ssyncset.done $0x0  }
0x154: {  	[sflag:s1] =	ssyncadd.s32 $0xFFFFFFF0  }
0x155: {  	_ =	sfence.sel $0x180000  }
0x156: {  	[bflag:$0x0] =	sbarrier.arrive $0xFFFF  }
0x157: {  	_ =	strace $0x90000047  }
0x158: {  	s0 =	stileid.u32;
	[bflag:$0x2] =	sbarrier.arrive $0xFFFF  }
0x159: {  	p0 =	sne.s32 s0, $0x0;
	s0 =	rddreg [dreg:$0x6]  }
0x15a: {  	s0 =	sadd.s32 @!p0 $0x100000, s0  }
0x15b: {  	[sflag:s0] =	ssyncadd.tile.s32 @!p0 $0x1;
	_ =	shalt  }
.Lfunc_end2:
_tile_overlayer_lowered:
.L_overlay_start_2:
0x15c: {  	(tag) =	ssettag $0x2  }
0x15d: {  	s0 =	rddreg [dreg:$0x0];
	s2 =	stileid.u32  }
0x15e: {  	s1 =	rddreg [dreg:$0x1];
	p0 =	sne.s32 s2, $0x0  }
0x15f: {  	s3 =	rddreg [dreg:$0x2];
	[bflag:$0x3] =	sbarrier.arrive $0xFFFF;
	s2 =	simm.s32 @!p0 $0x1C05  }
0x160: {  	[timem:s3], [sflag:s2] =	dma.local @!p0 [hbm:s0], s1  }
0x161: {  	s0 =	simm.s32 @!p0 $0x5  }
0x162: {  	_ =	swait.ge @!p0 [sflag:s0], s1  }
0x163: {  	s1 =	ssub.s32 @!p0 $0x0, s1;
	[sflag:s0] =	ssyncset.done @!p0 $0x0  }
0x164: {  	[sflag:s0] =	ssyncadd.s32 @!p0 s1  }
0x165: {  	[bflag:$0x3] =	sbarrier.arrive $0xFFFF  }
0x166: {  	_ =	shalt  }

</sc_bundles>
